<compile_context>
chip_gen: v7x
topology: tpu7x:2x2x1
jax: 0.10.2.dev20260603
libtpu: 0.0.44.dev20260713+nightly
codegen_flags: <defaults>
</compile_context>

<pallas_src>
import functools

import jax
import jax.numpy as jnp
from jax import lax
from jax.experimental import pallas as pl
from jax.experimental.pallas import tpu as pltpu
from jax.experimental.pallas import tpu_sc as plsc

MODEL_DIM = 1024
MAX_SEQ_LEN = 2048
BATCH = 32
NC, NS = 2, 16
NW = NC * NS
ROWS_W = MAX_SEQ_LEN // NW
WIN = 16
ZPOOL = 32
DEPTH = 3

_mesh = plsc.VectorSubcoreMesh(
    core_axis_name="c", subcore_axis_name="s", num_cores=NC, num_subcores=NS
)


@functools.partial(
    pl.kernel,
    out_type=jax.ShapeDtypeStruct((BATCH, MAX_SEQ_LEN, MODEL_DIM), jnp.float32),
    mesh=_mesh,
    scratch_types=[
        pltpu.VMEM((ROWS_W + ZPOOL, MODEL_DIM), jnp.float32),
        pltpu.VMEM((WIN, MODEL_DIM), jnp.float32),
        pltpu.VMEM((BATCH,), jnp.int32),
        pltpu.SemaphoreType.DMA,
        pltpu.SemaphoreType.DMA,
        pltpu.SemaphoreType.DMA,
    ],
    compiler_params=pltpu.CompilerParams(needs_layout_passes=False),
)
def _pe_lookup(
    len_hbm, table_hbm, zero_hbm, out_hbm, src_v, mix_v, len_v, sem_a, sem_g, sem_w
):
    w = lax.axis_index("s") * NC + lax.axis_index("c")
    w0 = w * ROWS_W
    lanes = lax.iota(jnp.int32, WIN)
    for g in range(ROWS_W // WIN):
        pltpu.make_async_copy(
            table_hbm.at[w0 + 1 + g * WIN + lanes],
            src_v.at[pl.ds(g * WIN, WIN)],
            sem_g,
        ).start()
    pltpu.make_async_copy(
        zero_hbm, src_v.at[pl.ds(ROWS_W, ZPOOL)], sem_g
    ).start()
    pltpu.sync_copy(len_hbm, len_v)
    for g in range(ROWS_W // WIN):
        pltpu.make_async_copy(
            table_hbm.at[lanes], src_v.at[pl.ds(g * WIN, WIN)], sem_g
        ).wait()
    pltpu.make_async_copy(
        zero_hbm, src_v.at[pl.ds(ROWS_W, ZPOOL)], sem_g
    ).wait()
    lo = len_v[pl.ds(0, 16)]
    hi = len_v[pl.ds(16, 16)]

    def rows_of(b):
        in_lo = b < 16
        lane = jnp.where(in_lo, b, b - 16)
        vec = jnp.where(in_lo, lo, hi)
        len_b = jnp.sum(jnp.where(lanes == lane, vec, 0))
        return jnp.clip(len_b - w0, 0, ROWS_W)

    def linear_writes(b, r, run):
        a = (r // WIN) * WIN
        m = r - a
        for sz in (16, 32, 48, 64):

            @pl.when(a == sz)
            def _():
                run(src_v.at[pl.ds(0, sz)], out_hbm.at[b, pl.ds(w0, sz)])

        zs = a + jnp.where(m > 0, WIN, 0)
        z = ROWS_W - zs

        @pl.when(z >= 32)
        def _():
            run(src_v.at[pl.ds(ROWS_W, 32)], out_hbm.at[b, pl.ds(w0 + zs, 32)])

        @pl.when(z == 64)
        def _():
            run(
                src_v.at[pl.ds(ROWS_W, 32)],
                out_hbm.at[b, pl.ds(w0 + zs + 32, 32)],
            )

        @pl.when(z % 32 == WIN)
        def _():
            run(
                src_v.at[pl.ds(ROWS_W, WIN)],
                out_hbm.at[b, pl.ds(w0 + zs + z - WIN, WIN)],
            )

    def start(src, dst):
        pltpu.make_async_copy(src, dst, sem_a).start()

    def wait(src, dst):
        pltpu.make_async_copy(src, dst, sem_a).wait()

    def ragged_write_wait(b, r):
        a = (r // WIN) * WIN

        @pl.when(r - a > 0)
        def _():
            pltpu.make_async_copy(
                mix_v, out_hbm.at[b, pl.ds(w0 + a, WIN)], sem_w
            ).wait()

    def body(b, carry):
        rs = carry
        r = rows_of(b)
        a = (r // WIN) * WIN
        m = r - a

        ragged_write_wait(b - 1, rs[0])

        @pl.when(m > 0)
        def _():
            idx = jnp.where(a + lanes < r, w0 + a + lanes + 1, 0)
            pltpu.make_async_copy(table_hbm.at[idx], mix_v, sem_g).start()

        linear_writes(b, r, start)

        @pl.when(m > 0)
        def _():
            idx = jnp.where(a + lanes < r, w0 + a + lanes + 1, 0)
            pltpu.make_async_copy(table_hbm.at[idx], mix_v, sem_g).wait()
            pltpu.make_async_copy(
                mix_v, out_hbm.at[b, pl.ds(w0 + a, WIN)], sem_w
            ).start()

        @pl.when(b >= DEPTH)
        def _():
            linear_writes(b - DEPTH, rs[-1], wait)

        return (r,) + rs[:-1]

    rs = lax.fori_loop(0, BATCH, body, (jnp.int32(0),) * DEPTH)
    for d in range(DEPTH, 0, -1):
        linear_writes(BATCH - d, rs[d - 1], wait)
    ragged_write_wait(BATCH - 1, rs[0])


def kernel(input_len, pe_table):
    zeros = jnp.zeros((ZPOOL, MODEL_DIM), jnp.float32)
    return _pe_lookup(input_len, pe_table, zeros)

# --- scband reference (transcript-rebuilt; emitter-appended) ---
"""Pipeline reference for scband-positional-encoding-33414845563162 (READ-ONLY COPY).

The authoritative reference and input builder live on the scoring server;
editing this copy changes nothing except your own understanding.
"""

import jax, jax.numpy as jnp
import numpy as np

MODEL_DIM = 1024
MAX_SEQ_LEN = 2048
BATCH = 32


def _build_table():
    pos = np.arange(MAX_SEQ_LEN)[:, None].astype(np.float64)
    j = np.arange(MODEL_DIM)[None, :].astype(np.float64)
    angle = pos / np.power(10000.0, 2.0 * np.floor(j / 2.0) / MODEL_DIM)
    angle[:, 0::2] = np.sin(angle[:, 0::2])
    angle[:, 1::2] = np.cos(angle[:, 1::2])
    pad_row = np.zeros((1, MODEL_DIM), dtype=np.float64)
    table = np.concatenate([pad_row, angle], axis=0).astype(np.float32)
    return jnp.asarray(table)


def setup_inputs(seed: int = 0) -> dict:
    key = jax.random.key(seed)
    input_len = jax.random.randint(key, (BATCH,), 1, MAX_SEQ_LEN + 1, dtype=jnp.int32)
    # force the max so the padded output length is deterministic
    input_len = input_len.at[0].set(MAX_SEQ_LEN)
    return {"input_len": input_len, "pe_table": _build_table()}


def reference(input_len, pe_table):
    # max_len = torch.max(input_len)
    max_len = pe_table.shape[0] - 1
    # positions 1..len followed by zeros (the pad row index 0), vectorized
    pos = jnp.arange(1, max_len + 1, dtype=jnp.int32)[None, :]
    in_pos = jnp.where(pos <= input_len[:, None], pos, 0)
    # embedding lookup: gather rows of the positional-encoding table
    return jnp.take(pe_table, in_pos, axis=0)

if __name__ == "__main__":
    import jax
    _d = setup_inputs()
    print(jax.jit(kernel)(*tuple(_d.values())))

</pallas_src>

<mosaic_0001>
#map = affine_map<(d0, d1) -> (0)>
#map1 = affine_map<(d0, d1) -> (0, 0)>
#map2 = affine_map<(d0, d1) -> (0, 0, 0)>
module attributes {stable_mosaic.version = 14 : i64} {
  func.func @_pe_lookup(%arg0: i32, %arg1: i32, %arg2: memref<32xi32, #tpu.memory_space<hbm>>, %arg3: memref<2049x1024xf32, #tpu.memory_space<hbm>>, %arg4: memref<32x1024xf32, #tpu.memory_space<hbm>>, %arg5: memref<32x2048x1024xf32, #tpu.memory_space<hbm>>, %arg6: memref<96x1024xf32, #tpu.memory_space<vmem>>, %arg7: memref<16x1024xf32, #tpu.memory_space<vmem>>, %arg8: memref<32xi32, #tpu.memory_space<vmem>>, %arg9: memref<!tpu.dma_semaphore, #tpu.memory_space<semaphore_mem>>, %arg10: memref<!tpu.dma_semaphore, #tpu.memory_space<semaphore_mem>>, %arg11: memref<!tpu.dma_semaphore, #tpu.memory_space<semaphore_mem>>) attributes {dimension_semantics = [#tpu.dimension_semantics<core_parallel>, #tpu.dimension_semantics<subcore_parallel>], iteration_bounds = array<i64: 2, 16>, scalar_prefetch = 0 : i64, scratch_operands = 6 : i64, tpu.core_type = #tpu.core_type<sc_vector_subcore>, window_params = [{transform_indices = #map}, {transform_indices = #map1}, {transform_indices = #map1}, {transform_indices = #map2}]} {
    %mul3A = arith.constant 2 : i32
    %mul3A_0 = arith.muli %arg1, %mul3A : i32
    %add3A = arith.addi %mul3A_0, %arg0 : i32
    %mul3A_1 = arith.constant 64 : i32
    %mul3A_2 = arith.muli %add3A, %mul3A_1 : i32
    %iota3A = tpu.iota {dimensions = array<i32: 0>} : vector<16xi32>
    %add3A_3 = arith.constant 1 : i32
    %add3A_4 = arith.addi %mul3A_2, %add3A_3 : i32
    %add3A_5 = arith.constant 0 : i32
    %add3A_6 = arith.addi %add3A_4, %add3A_5 : i32
    %add3A_7 = vector.broadcast %add3A_6 : i32 to vector<16xi32>
    %add3A_8 = arith.addi %add3A_7, %iota3A : vector<16xi32>
    %dma_start3A = arith.constant 0 : i32
    %dma_start3A_9 = arith.constant 0 : i32
    %dma_start3A_10 = tpu.memref_slice %arg6[%dma_start3A, %dma_start3A_9] : memref<96x1024xf32, #tpu.memory_space<vmem>> -> memref<16x1024xf32, #tpu.memory_space<vmem>>
    %dma_start3A_11 = arith.constant 0 : i32
    %dma_start3A_12 = arith.constant 0 : i32
    %dma_start3A_13 = tpu.memref_slice %arg3[%dma_start3A_11, %dma_start3A_12] : memref<2049x1024xf32, #tpu.memory_space<hbm>> -> memref<2049x1024xf32, #tpu.memory_space<hbm>>
    tpu.enqueue_indirect_dma source(%dma_start3A_13 : memref<2049x1024xf32, #tpu.memory_space<hbm>>) target(%dma_start3A_10 : memref<16x1024xf32, #tpu.memory_space<vmem>>) offsets(%add3A_8 : vector<16xi32>) semaphore(%arg10 : memref<!tpu.dma_semaphore, #tpu.memory_space<semaphore_mem>>)
    %add3A_14 = arith.constant 1 : i32
    %add3A_15 = arith.addi %mul3A_2, %add3A_14 : i32
    %add3A_16 = arith.constant 16 : i32
    %add3A_17 = arith.addi %add3A_15, %add3A_16 : i32
    %add3A_18 = vector.broadcast %add3A_17 : i32 to vector<16xi32>
    %add3A_19 = arith.addi %add3A_18, %iota3A : vector<16xi32>
    %dma_start3A_20 = arith.constant 16 : i32
    %dma_start3A_21 = arith.constant 0 : i32
    %dma_start3A_22 = tpu.memref_slice %arg6[%dma_start3A_20, %dma_start3A_21] : memref<96x1024xf32, #tpu.memory_space<vmem>> -> memref<16x1024xf32, #tpu.memory_space<vmem>>
    %dma_start3A_23 = arith.constant 0 : i32
    %dma_start3A_24 = arith.constant 0 : i32
    %dma_start3A_25 = tpu.memref_slice %arg3[%dma_start3A_23, %dma_start3A_24] : memref<2049x1024xf32, #tpu.memory_space<hbm>> -> memref<2049x1024xf32, #tpu.memory_space<hbm>>
    tpu.enqueue_indirect_dma source(%dma_start3A_25 : memref<2049x1024xf32, #tpu.memory_space<hbm>>) target(%dma_start3A_22 : memref<16x1024xf32, #tpu.memory_space<vmem>>) offsets(%add3A_19 : vector<16xi32>) semaphore(%arg10 : memref<!tpu.dma_semaphore, #tpu.memory_space<semaphore_mem>>)
    %add3A_26 = arith.constant 1 : i32
    %add3A_27 = arith.addi %mul3A_2, %add3A_26 : i32
    %add3A_28 = arith.constant 32 : i32
    %add3A_29 = arith.addi %add3A_27, %add3A_28 : i32
    %add3A_30 = vector.broadcast %add3A_29 : i32 to vector<16xi32>
    %add3A_31 = arith.addi %add3A_30, %iota3A : vector<16xi32>
    %dma_start3A_32 = arith.constant 32 : i32
    %dma_start3A_33 = arith.constant 0 : i32
    %dma_start3A_34 = tpu.memref_slice %arg6[%dma_start3A_32, %dma_start3A_33] : memref<96x1024xf32, #tpu.memory_space<vmem>> -> memref<16x1024xf32, #tpu.memory_space<vmem>>
    %dma_start3A_35 = arith.constant 0 : i32
    %dma_start3A_36 = arith.constant 0 : i32
    %dma_start3A_37 = tpu.memref_slice %arg3[%dma_start3A_35, %dma_start3A_36] : memref<2049x1024xf32, #tpu.memory_space<hbm>> -> memref<2049x1024xf32, #tpu.memory_space<hbm>>
    tpu.enqueue_indirect_dma source(%dma_start3A_37 : memref<2049x1024xf32, #tpu.memory_space<hbm>>) target(%dma_start3A_34 : memref<16x1024xf32, #tpu.memory_space<vmem>>) offsets(%add3A_31 : vector<16xi32>) semaphore(%arg10 : memref<!tpu.dma_semaphore, #tpu.memory_space<semaphore_mem>>)
    %add3A_38 = arith.constant 1 : i32
    %add3A_39 = arith.addi %mul3A_2, %add3A_38 : i32
    %add3A_40 = arith.constant 48 : i32
    %add3A_41 = arith.addi %add3A_39, %add3A_40 : i32
    %add3A_42 = vector.broadcast %add3A_41 : i32 to vector<16xi32>
    %add3A_43 = arith.addi %add3A_42, %iota3A : vector<16xi32>
    %dma_start3A_44 = arith.constant 48 : i32
    %dma_start3A_45 = arith.constant 0 : i32
    %dma_start3A_46 = tpu.memref_slice %arg6[%dma_start3A_44, %dma_start3A_45] : memref<96x1024xf32, #tpu.memory_space<vmem>> -> memref<16x1024xf32, #tpu.memory_space<vmem>>
    %dma_start3A_47 = arith.constant 0 : i32
    %dma_start3A_48 = arith.constant 0 : i32
    %dma_start3A_49 = tpu.memref_slice %arg3[%dma_start3A_47, %dma_start3A_48] : memref<2049x1024xf32, #tpu.memory_space<hbm>> -> memref<2049x1024xf32, #tpu.memory_space<hbm>>
    tpu.enqueue_indirect_dma source(%dma_start3A_49 : memref<2049x1024xf32, #tpu.memory_space<hbm>>) target(%dma_start3A_46 : memref<16x1024xf32, #tpu.memory_space<vmem>>) offsets(%add3A_43 : vector<16xi32>) semaphore(%arg10 : memref<!tpu.dma_semaphore, #tpu.memory_space<semaphore_mem>>)
    %dma_start3A_50 = arith.constant 64 : i32
    %dma_start3A_51 = arith.constant 0 : i32
    %dma_start3A_52 = tpu.memref_slice %arg6[%dma_start3A_50, %dma_start3A_51] : memref<96x1024xf32, #tpu.memory_space<vmem>> -> memref<32x1024xf32, #tpu.memory_space<vmem>>
    %dma_start3A_53 = arith.constant 64 : i32
    %dma_start3A_54 = arith.constant 0 : i32
    %dma_start3A_55 = tpu.memref_slice %arg6[%dma_start3A_53, %dma_start3A_54] : memref<96x1024xf32, #tpu.memory_space<vmem>> -> memref<32x1024xf32, #tpu.memory_space<vmem>>
    tpu.enqueue_dma source(%arg4 : memref<32x1024xf32, #tpu.memory_space<hbm>>) target(%dma_start3A_55 : memref<32x1024xf32, #tpu.memory_space<vmem>>) target_semaphore(%arg10 : memref<!tpu.dma_semaphore, #tpu.memory_space<semaphore_mem>>)
    "tpu.region"() ({
      %run_scoped3A = tpu.sem_alloc : memref<!tpu.dma_semaphore, #tpu.memory_space<semaphore_mem>>
      tpu.enqueue_dma source(%arg2 : memref<32xi32, #tpu.memory_space<hbm>>) target(%arg8 : memref<32xi32, #tpu.memory_space<vmem>>) target_semaphore(%run_scoped3A : memref<!tpu.dma_semaphore, #tpu.memory_space<semaphore_mem>>)
      tpu.wait_dma2 semaphore(%run_scoped3A : memref<!tpu.dma_semaphore, #tpu.memory_space<semaphore_mem>>) src(%arg2 : memref<32xi32, #tpu.memory_space<hbm>>) dst(%arg8 : memref<32xi32, #tpu.memory_space<vmem>>)
      tpu.yield
    }) : () -> ()
    %dma_wait3A = arith.constant 0 : i32
    %dma_wait3A_56 = arith.constant 0 : i32
    %dma_wait3A_57 = tpu.memref_slice %arg6[%dma_wait3A, %dma_wait3A_56] : memref<96x1024xf32, #tpu.memory_space<vmem>> -> memref<16x1024xf32, #tpu.memory_space<vmem>>
    %dma_wait3A_58 = arith.constant 0 : i32
    %dma_wait3A_59 = arith.constant 0 : i32
    %dma_wait3A_60 = tpu.memref_slice %arg3[%dma_wait3A_58, %dma_wait3A_59] : memref<2049x1024xf32, #tpu.memory_space<hbm>> -> memref<2049x1024xf32, #tpu.memory_space<hbm>>
    tpu.wait_indirect_dma semaphore(%arg10 : memref<!tpu.dma_semaphore, #tpu.memory_space<semaphore_mem>>) src(%dma_wait3A_60 : memref<2049x1024xf32, #tpu.memory_space<hbm>>) dst(%dma_wait3A_57 : memref<16x1024xf32, #tpu.memory_space<vmem>>)
    %dma_wait3A_61 = arith.constant 16 : i32
    %dma_wait3A_62 = arith.constant 0 : i32
    %dma_wait3A_63 = tpu.memref_slice %arg6[%dma_wait3A_61, %dma_wait3A_62] : memref<96x1024xf32, #tpu.memory_space<vmem>> -> memref<16x1024xf32, #tpu.memory_space<vmem>>
    %dma_wait3A_64 = arith.constant 0 : i32
    %dma_wait3A_65 = arith.constant 0 : i32
    %dma_wait3A_66 = tpu.memref_slice %arg3[%dma_wait3A_64, %dma_wait3A_65] : memref<2049x1024xf32, #tpu.memory_space<hbm>> -> memref<2049x1024xf32, #tpu.memory_space<hbm>>
    tpu.wait_indirect_dma semaphore(%arg10 : memref<!tpu.dma_semaphore, #tpu.memory_space<semaphore_mem>>) src(%dma_wait3A_66 : memref<2049x1024xf32, #tpu.memory_space<hbm>>) dst(%dma_wait3A_63 : memref<16x1024xf32, #tpu.memory_space<vmem>>)
    %dma_wait3A_67 = arith.constant 32 : i32
    %dma_wait3A_68 = arith.constant 0 : i32
    %dma_wait3A_69 = tpu.memref_slice %arg6[%dma_wait3A_67, %dma_wait3A_68] : memref<96x1024xf32, #tpu.memory_space<vmem>> -> memref<16x1024xf32, #tpu.memory_space<vmem>>
    %dma_wait3A_70 = arith.constant 0 : i32
    %dma_wait3A_71 = arith.constant 0 : i32
    %dma_wait3A_72 = tpu.memref_slice %arg3[%dma_wait3A_70, %dma_wait3A_71] : memref<2049x1024xf32, #tpu.memory_space<hbm>> -> memref<2049x1024xf32, #tpu.memory_space<hbm>>
    tpu.wait_indirect_dma semaphore(%arg10 : memref<!tpu.dma_semaphore, #tpu.memory_space<semaphore_mem>>) src(%dma_wait3A_72 : memref<2049x1024xf32, #tpu.memory_space<hbm>>) dst(%dma_wait3A_69 : memref<16x1024xf32, #tpu.memory_space<vmem>>)
    %dma_wait3A_73 = arith.constant 48 : i32
    %dma_wait3A_74 = arith.constant 0 : i32
    %dma_wait3A_75 = tpu.memref_slice %arg6[%dma_wait3A_73, %dma_wait3A_74] : memref<96x1024xf32, #tpu.memory_space<vmem>> -> memref<16x1024xf32, #tpu.memory_space<vmem>>
    %dma_wait3A_76 = arith.constant 0 : i32
    %dma_wait3A_77 = arith.constant 0 : i32
    %dma_wait3A_78 = tpu.memref_slice %arg3[%dma_wait3A_76, %dma_wait3A_77] : memref<2049x1024xf32, #tpu.memory_space<hbm>> -> memref<2049x1024xf32, #tpu.memory_space<hbm>>
    tpu.wait_indirect_dma semaphore(%arg10 : memref<!tpu.dma_semaphore, #tpu.memory_space<semaphore_mem>>) src(%dma_wait3A_78 : memref<2049x1024xf32, #tpu.memory_space<hbm>>) dst(%dma_wait3A_75 : memref<16x1024xf32, #tpu.memory_space<vmem>>)
    %dma_wait3A_79 = arith.constant 64 : i32
    %dma_wait3A_80 = arith.constant 0 : i32
    %dma_wait3A_81 = tpu.memref_slice %arg6[%dma_wait3A_79, %dma_wait3A_80] : memref<96x1024xf32, #tpu.memory_space<vmem>> -> memref<32x1024xf32, #tpu.memory_space<vmem>>
    %dma_wait3A_82 = arith.constant 64 : i32
    %dma_wait3A_83 = arith.constant 0 : i32
    %dma_wait3A_84 = tpu.memref_slice %arg6[%dma_wait3A_82, %dma_wait3A_83] : memref<96x1024xf32, #tpu.memory_space<vmem>> -> memref<32x1024xf32, #tpu.memory_space<vmem>>
    tpu.wait_dma2 semaphore(%arg10 : memref<!tpu.dma_semaphore, #tpu.memory_space<semaphore_mem>>) src(%arg4 : memref<32x1024xf32, #tpu.memory_space<hbm>>) dst(%dma_wait3A_84 : memref<32x1024xf32, #tpu.memory_space<vmem>>)
    %get3A = arith.constant 0 : index
    %get3A_85 = tpu.vector_load %arg8[%get3A] {strides = array<i32>} : memref<32xi32, #tpu.memory_space<vmem>>, vector<16xi32>,
    %get3A_86 = arith.constant 16 : index
    %get3A_87 = tpu.vector_load %arg8[%get3A_86] {strides = array<i32>} : memref<32xi32, #tpu.memory_space<vmem>>, vector<16xi32>,
    %scan3A = arith.constant 0 : i32
    %scan3A_88 = arith.constant 0 : i32
    %scan3A_89 = arith.constant 0 : i32
    %scan3A_90 = arith.constant 0 : i32
    %scan3A_91 = arith.constant 32 : i32
    %scan3A_92 = arith.addi %scan3A_90, %scan3A_91 : i32
    %scan3A_93 = arith.constant 1 : i32
    %scan3A_94:3 = scf.for %scan3A_372 = %scan3A_90 to %scan3A_92 step %scan3A_93 iter_args(%scan3A_373 = %scan3A, %scan3A_374 = %scan3A_88, %scan3A_375 = %scan3A_89) -> (i32, i32, i32)  : i32 {
      %lt3A_376 = arith.constant 16 : i32
      %lt3A_377 = arith.cmpi slt, %scan3A_372, %lt3A_376 : i32
      %sub3A_378 = arith.constant 16 : i32
      %sub3A_379 = arith.subi %scan3A_372, %sub3A_378 : i32
      %select_n3A_380 = arith.select %lt3A_377, %scan3A_372, %sub3A_379 : i32
      %select_n3A_381 = arith.select %lt3A_377, %get3A_85, %get3A_87 : vector<16xi32>
      %eq3A_382 = vector.broadcast %select_n3A_380 : i32 to vector<16xi32>
      %eq3A_383 = arith.cmpi eq, %iota3A, %eq3A_382 : vector<16xi32>
      %jit3A_384 = arith.constant 0 : i32
      %broadcast_in_dim3A = vector.broadcast %jit3A_384 : i32 to vector<16xi32>
      %select_n3A_385 = arith.select %eq3A_383, %select_n3A_381, %broadcast_in_dim3A : vector<16xi1>, vector<16xi32>
      %reduce_sum3A = arith.constant true
      %reduce_sum3A_386 = vector.broadcast %reduce_sum3A : i1 to vector<16xi1>
      %reduce_sum3A_387 = tpu.scan <sum>, %select_n3A_385 masked %reduce_sum3A_386 : vector<16xi32>, vector<16xi1> -> vector<16xi32>
      %reduce_sum3A_388 = vector.extract %reduce_sum3A_387[15] : i32 from vector<16xi32>
      %sub3A_389 = arith.subi %reduce_sum3A_388, %mul3A_2 : i32
      %jit3A_390 = arith.constant 0 : i32
      %jit3A_391 = arith.constant 64 : i32
      %max3A = arith.maxsi %jit3A_390, %sub3A_389 : i32
      %min3A = arith.minsi %jit3A_391, %max3A : i32
      %jit3A_392 = arith.constant 16 : i32
      %div3A_393 = arith.divsi %min3A, %jit3A_392 : i32
      %sign3A_394 = arith.constant 0 : i32
      %sign3A_395 = arith.cmpi sgt, %min3A, %sign3A_394 : i32
      %sign3A_396 = arith.extui %sign3A_395 : i1 to i32
      %sign3A_397 = arith.constant 0 : i32
      %sign3A_398 = arith.cmpi slt, %min3A, %sign3A_397 : i32
      %sign3A_399 = arith.extui %sign3A_398 : i1 to i32
      %sign3A_400 = arith.subi %sign3A_396, %sign3A_399 : i32
      %sign3A_401 = arith.constant 0 : i32
      %sign3A_402 = arith.cmpi sgt, %jit3A_392, %sign3A_401 : i32
      %sign3A_403 = arith.extui %sign3A_402 : i1 to i32
      %sign3A_404 = arith.constant 0 : i32
      %sign3A_405 = arith.cmpi slt, %jit3A_392, %sign3A_404 : i32
      %sign3A_406 = arith.extui %sign3A_405 : i1 to i32
      %sign3A_407 = arith.subi %sign3A_403, %sign3A_406 : i32
      %ne3A_408 = arith.cmpi ne, %sign3A_400, %sign3A_407 : i32
      %rem3A_409 = arith.remsi %min3A, %jit3A_392 : i32
      %ne3A_410 = arith.constant 0 : i32
      %ne3A_411 = arith.cmpi ne, %rem3A_409, %ne3A_410 : i32
      %and3A_412 = arith.andi %ne3A_408, %ne3A_411 : i1
      %sub3A_413 = arith.constant 1 : i32
      %sub3A_414 = arith.subi %div3A_393, %sub3A_413 : i32
      %select_n3A_415 = arith.select %and3A_412, %sub3A_414, %div3A_393 : i32
      %mul3A_416 = arith.constant 16 : i32
      %mul3A_417 = arith.muli %select_n3A_415, %mul3A_416 : i32
      %sub3A_418 = arith.subi %min3A, %mul3A_417 : i32
      %sub3A_419 = arith.constant 1 : i32
      %sub3A_420 = arith.subi %scan3A_372, %sub3A_419 : i32
      %jit3A_421 = arith.constant 16 : i32
      %div3A_422 = arith.divsi %scan3A_373, %jit3A_421 : i32
      %sign3A_423 = arith.constant 0 : i32
      %sign3A_424 = arith.cmpi sgt, %scan3A_373, %sign3A_423 : i32
      %sign3A_425 = arith.extui %sign3A_424 : i1 to i32
      %sign3A_426 = arith.constant 0 : i32
      %sign3A_427 = arith.cmpi slt, %scan3A_373, %sign3A_426 : i32
      %sign3A_428 = arith.extui %sign3A_427 : i1 to i32
      %sign3A_429 = arith.subi %sign3A_425, %sign3A_428 : i32
      %sign3A_430 = arith.constant 0 : i32
      %sign3A_431 = arith.cmpi sgt, %jit3A_421, %sign3A_430 : i32
      %sign3A_432 = arith.extui %sign3A_431 : i1 to i32
      %sign3A_433 = arith.constant 0 : i32
      %sign3A_434 = arith.cmpi slt, %jit3A_421, %sign3A_433 : i32
      %sign3A_435 = arith.extui %sign3A_434 : i1 to i32
      %sign3A_436 = arith.subi %sign3A_432, %sign3A_435 : i32
      %ne3A_437 = arith.cmpi ne, %sign3A_429, %sign3A_436 : i32
      %rem3A_438 = arith.remsi %scan3A_373, %jit3A_421 : i32
      %ne3A_439 = arith.constant 0 : i32
      %ne3A_440 = arith.cmpi ne, %rem3A_438, %ne3A_439 : i32
      %and3A_441 = arith.andi %ne3A_437, %ne3A_440 : i1
      %sub3A_442 = arith.constant 1 : i32
      %sub3A_443 = arith.subi %div3A_422, %sub3A_442 : i32
      %select_n3A_444 = arith.select %and3A_441, %sub3A_443, %div3A_422 : i32
      %mul3A_445 = arith.constant 16 : i32
      %mul3A_446 = arith.muli %select_n3A_444, %mul3A_445 : i32
      %sub3A_447 = arith.subi %scan3A_373, %mul3A_446 : i32
      %gt3A_448 = arith.constant 0 : i32
      %gt3A_449 = arith.cmpi sgt, %sub3A_447, %gt3A_448 : i32
      %convert_element_type3A_450 = arith.extui %gt3A_449 : i1 to i32
      %cond3A_451 = arith.constant 0 : i32
      %cond3A_452 = arith.cmpi ne, %convert_element_type3A_450, %cond3A_451 : i32
      scf.if %cond3A_452 {
        %add3A_554 = arith.addi %mul3A_2, %mul3A_446 : i32
        %dma_wait3A_555 = arith.constant 0 : i32
        %dma_wait3A_556 = tpu.memref_slice %arg5[%sub3A_420, %add3A_554, %dma_wait3A_555] : memref<32x2048x1024xf32, #tpu.memory_space<hbm>> -> memref<1x16x1024xf32, #tpu.memory_space<hbm>>
        %dma_wait3A_557 = tpu.memref_squeeze %dma_wait3A_556 : memref<1x16x1024xf32, #tpu.memory_space<hbm>> -> memref<16x1024xf32, #tpu.memory_space<hbm>>
        %dma_wait3A_558 = arith.constant 0 : i32
        %dma_wait3A_559 = tpu.memref_slice %arg5[%sub3A_420, %add3A_554, %dma_wait3A_558] : memref<32x2048x1024xf32, #tpu.memory_space<hbm>> -> memref<1x16x1024xf32, #tpu.memory_space<hbm>>
        %dma_wait3A_560 = tpu.memref_squeeze %dma_wait3A_559 : memref<1x16x1024xf32, #tpu.memory_space<hbm>> -> memref<16x1024xf32, #tpu.memory_space<hbm>>
        tpu.wait_dma2 semaphore(%arg11 : memref<!tpu.dma_semaphore, #tpu.memory_space<semaphore_mem>>) src(%arg7 : memref<16x1024xf32, #tpu.memory_space<vmem>>) dst(%dma_wait3A_560 : memref<16x1024xf32, #tpu.memory_space<hbm>>)
      } else {
      }
      %gt3A_453 = arith.constant 0 : i32
      %gt3A_454 = arith.cmpi sgt, %sub3A_418, %gt3A_453 : i32
      %convert_element_type3A_455 = arith.extui %gt3A_454 : i1 to i32
      %cond3A_456 = arith.constant 0 : i32
      %cond3A_457 = arith.cmpi ne, %convert_element_type3A_455, %cond3A_456 : i32
      scf.if %cond3A_457 {
        %add3A_554 = vector.broadcast %mul3A_417 : i32 to vector<16xi32>
        %add3A_555 = arith.addi %add3A_554, %iota3A : vector<16xi32>
        %lt3A_556 = vector.broadcast %min3A : i32 to vector<16xi32>
        %lt3A_557 = arith.cmpi slt, %add3A_555, %lt3A_556 : vector<16xi32>
        %add3A_558 = arith.addi %mul3A_2, %mul3A_417 : i32
        %add3A_559 = vector.broadcast %add3A_558 : i32 to vector<16xi32>
        %add3A_560 = arith.addi %add3A_559, %iota3A : vector<16xi32>
        %add3A_561 = arith.constant 1 : i32
        %add3A_562 = vector.broadcast %add3A_561 : i32 to vector<16xi32>
        %add3A_563 = arith.addi %add3A_560, %add3A_562 : vector<16xi32>
        %jit3A_564 = arith.constant 0 : i32
        %broadcast_in_dim3A_565 = vector.broadcast %jit3A_564 : i32 to vector<16xi32>
        %select_n3A_566 = arith.select %lt3A_557, %add3A_563, %broadcast_in_dim3A_565 : vector<16xi1>, vector<16xi32>
        %dma_start3A_567 = arith.constant 0 : i32
        %dma_start3A_568 = arith.constant 0 : i32
        %dma_start3A_569 = tpu.memref_slice %arg3[%dma_start3A_567, %dma_start3A_568] : memref<2049x1024xf32, #tpu.memory_space<hbm>> -> memref<2049x1024xf32, #tpu.memory_space<hbm>>
        tpu.enqueue_indirect_dma source(%dma_start3A_569 : memref<2049x1024xf32, #tpu.memory_space<hbm>>) target(%arg7 : memref<16x1024xf32, #tpu.memory_space<vmem>>) offsets(%select_n3A_566 : vector<16xi32>) semaphore(%arg10 : memref<!tpu.dma_semaphore, #tpu.memory_space<semaphore_mem>>)
      } else {
      }
      %jit3A_458 = arith.constant 16 : i32
      %div3A_459 = arith.divsi %min3A, %jit3A_458 : i32
      %sign3A_460 = arith.constant 0 : i32
      %sign3A_461 = arith.cmpi sgt, %min3A, %sign3A_460 : i32
      %sign3A_462 = arith.extui %sign3A_461 : i1 to i32
      %sign3A_463 = arith.constant 0 : i32
      %sign3A_464 = arith.cmpi slt, %min3A, %sign3A_463 : i32
      %sign3A_465 = arith.extui %sign3A_464 : i1 to i32
      %sign3A_466 = arith.subi %sign3A_462, %sign3A_465 : i32
      %sign3A_467 = arith.constant 0 : i32
      %sign3A_468 = arith.cmpi sgt, %jit3A_458, %sign3A_467 : i32
      %sign3A_469 = arith.extui %sign3A_468 : i1 to i32
      %sign3A_470 = arith.constant 0 : i32
      %sign3A_471 = arith.cmpi slt, %jit3A_458, %sign3A_470 : i32
      %sign3A_472 = arith.extui %sign3A_471 : i1 to i32
      %sign3A_473 = arith.subi %sign3A_469, %sign3A_472 : i32
      %ne3A_474 = arith.cmpi ne, %sign3A_466, %sign3A_473 : i32
      %rem3A_475 = arith.remsi %min3A, %jit3A_458 : i32
      %ne3A_476 = arith.constant 0 : i32
      %ne3A_477 = arith.cmpi ne, %rem3A_475, %ne3A_476 : i32
      %and3A_478 = arith.andi %ne3A_474, %ne3A_477 : i1
      %sub3A_479 = arith.constant 1 : i32
      %sub3A_480 = arith.subi %div3A_459, %sub3A_479 : i32
      %select_n3A_481 = arith.select %and3A_478, %sub3A_480, %div3A_459 : i32
      %mul3A_482 = arith.constant 16 : i32
      %mul3A_483 = arith.muli %select_n3A_481, %mul3A_482 : i32
      %sub3A_484 = arith.subi %min3A, %mul3A_483 : i32
      %eq3A_485 = arith.constant 16 : i32
      %eq3A_486 = arith.cmpi eq, %mul3A_483, %eq3A_485 : i32
      %convert_element_type3A_487 = arith.extui %eq3A_486 : i1 to i32
      %cond3A_488 = arith.constant 0 : i32
      %cond3A_489 = arith.cmpi ne, %convert_element_type3A_487, %cond3A_488 : i32
      scf.if %cond3A_489 {
        %dma_start3A_554 = arith.constant 0 : i32
        %dma_start3A_555 = arith.constant 0 : i32
        %dma_start3A_556 = tpu.memref_slice %arg6[%dma_start3A_554, %dma_start3A_555] : memref<96x1024xf32, #tpu.memory_space<vmem>> -> memref<16x1024xf32, #tpu.memory_space<vmem>>
        %dma_start3A_557 = arith.constant 0 : i32
        %dma_start3A_558 = tpu.memref_slice %arg5[%scan3A_372, %mul3A_2, %dma_start3A_557] : memref<32x2048x1024xf32, #tpu.memory_space<hbm>> -> memref<1x16x1024xf32, #tpu.memory_space<hbm>>
        %dma_start3A_559 = tpu.memref_squeeze %dma_start3A_558 : memref<1x16x1024xf32, #tpu.memory_space<hbm>> -> memref<16x1024xf32, #tpu.memory_space<hbm>>
        %dma_start3A_560 = arith.constant 0 : i32
        %dma_start3A_561 = tpu.memref_slice %arg5[%scan3A_372, %mul3A_2, %dma_start3A_560] : memref<32x2048x1024xf32, #tpu.memory_space<hbm>> -> memref<1x16x1024xf32, #tpu.memory_space<hbm>>
        %dma_start3A_562 = tpu.memref_squeeze %dma_start3A_561 : memref<1x16x1024xf32, #tpu.memory_space<hbm>> -> memref<16x1024xf32, #tpu.memory_space<hbm>>
        %dma_start3A_563 = arith.constant 0 : i32
        %dma_start3A_564 = arith.constant 0 : i32
        %dma_start3A_565 = tpu.memref_slice %arg6[%dma_start3A_563, %dma_start3A_564] : memref<96x1024xf32, #tpu.memory_space<vmem>> -> memref<16x1024xf32, #tpu.memory_space<vmem>>
        tpu.enqueue_dma source(%dma_start3A_565 : memref<16x1024xf32, #tpu.memory_space<vmem>>) target(%dma_start3A_562 : memref<16x1024xf32, #tpu.memory_space<hbm>>) target_semaphore(%arg9 : memref<!tpu.dma_semaphore, #tpu.memory_space<semaphore_mem>>)
      } else {
      }
      %eq3A_490 = arith.constant 32 : i32
      %eq3A_491 = arith.cmpi eq, %mul3A_483, %eq3A_490 : i32
      %convert_element_type3A_492 = arith.extui %eq3A_491 : i1 to i32
      %cond3A_493 = arith.constant 0 : i32
      %cond3A_494 = arith.cmpi ne, %convert_element_type3A_492, %cond3A_493 : i32
      scf.if %cond3A_494 {
        %dma_start3A_554 = arith.constant 0 : i32
        %dma_start3A_555 = arith.constant 0 : i32
        %dma_start3A_556 = tpu.memref_slice %arg6[%dma_start3A_554, %dma_start3A_555] : memref<96x1024xf32, #tpu.memory_space<vmem>> -> memref<32x1024xf32, #tpu.memory_space<vmem>>
        %dma_start3A_557 = arith.constant 0 : i32
        %dma_start3A_558 = tpu.memref_slice %arg5[%scan3A_372, %mul3A_2, %dma_start3A_557] : memref<32x2048x1024xf32, #tpu.memory_space<hbm>> -> memref<1x32x1024xf32, #tpu.memory_space<hbm>>
        %dma_start3A_559 = tpu.memref_squeeze %dma_start3A_558 : memref<1x32x1024xf32, #tpu.memory_space<hbm>> -> memref<32x1024xf32, #tpu.memory_space<hbm>>
        %dma_start3A_560 = arith.constant 0 : i32
        %dma_start3A_561 = tpu.memref_slice %arg5[%scan3A_372, %mul3A_2, %dma_start3A_560] : memref<32x2048x1024xf32, #tpu.memory_space<hbm>> -> memref<1x32x1024xf32, #tpu.memory_space<hbm>>
        %dma_start3A_562 = tpu.memref_squeeze %dma_start3A_561 : memref<1x32x1024xf32, #tpu.memory_space<hbm>> -> memref<32x1024xf32, #tpu.memory_space<hbm>>
        %dma_start3A_563 = arith.constant 0 : i32
        %dma_start3A_564 = arith.constant 0 : i32
        %dma_start3A_565 = tpu.memref_slice %arg6[%dma_start3A_563, %dma_start3A_564] : memref<96x1024xf32, #tpu.memory_space<vmem>> -> memref<32x1024xf32, #tpu.memory_space<vmem>>
        tpu.enqueue_dma source(%dma_start3A_565 : memref<32x1024xf32, #tpu.memory_space<vmem>>) target(%dma_start3A_562 : memref<32x1024xf32, #tpu.memory_space<hbm>>) target_semaphore(%arg9 : memref<!tpu.dma_semaphore, #tpu.memory_space<semaphore_mem>>)
      } else {
      }
      %eq3A_495 = arith.constant 48 : i32
      %eq3A_496 = arith.cmpi eq, %mul3A_483, %eq3A_495 : i32
      %convert_element_type3A_497 = arith.extui %eq3A_496 : i1 to i32
      %cond3A_498 = arith.constant 0 : i32
      %cond3A_499 = arith.cmpi ne, %convert_element_type3A_497, %cond3A_498 : i32
      scf.if %cond3A_499 {
        %dma_start3A_554 = arith.constant 0 : i32
        %dma_start3A_555 = arith.constant 0 : i32
        %dma_start3A_556 = tpu.memref_slice %arg6[%dma_start3A_554, %dma_start3A_555] : memref<96x1024xf32, #tpu.memory_space<vmem>> -> memref<48x1024xf32, #tpu.memory_space<vmem>>
        %dma_start3A_557 = arith.constant 0 : i32
        %dma_start3A_558 = tpu.memref_slice %arg5[%scan3A_372, %mul3A_2, %dma_start3A_557] : memref<32x2048x1024xf32, #tpu.memory_space<hbm>> -> memref<1x48x1024xf32, #tpu.memory_space<hbm>>
        %dma_start3A_559 = tpu.memref_squeeze %dma_start3A_558 : memref<1x48x1024xf32, #tpu.memory_space<hbm>> -> memref<48x1024xf32, #tpu.memory_space<hbm>>
        %dma_start3A_560 = arith.constant 0 : i32
        %dma_start3A_561 = tpu.memref_slice %arg5[%scan3A_372, %mul3A_2, %dma_start3A_560] : memref<32x2048x1024xf32, #tpu.memory_space<hbm>> -> memref<1x48x1024xf32, #tpu.memory_space<hbm>>
        %dma_start3A_562 = tpu.memref_squeeze %dma_start3A_561 : memref<1x48x1024xf32, #tpu.memory_space<hbm>> -> memref<48x1024xf32, #tpu.memory_space<hbm>>
        %dma_start3A_563 = arith.constant 0 : i32
        %dma_start3A_564 = arith.constant 0 : i32
        %dma_start3A_565 = tpu.memref_slice %arg6[%dma_start3A_563, %dma_start3A_564] : memref<96x1024xf32, #tpu.memory_space<vmem>> -> memref<48x1024xf32, #tpu.memory_space<vmem>>
        tpu.enqueue_dma source(%dma_start3A_565 : memref<48x1024xf32, #tpu.memory_space<vmem>>) target(%dma_start3A_562 : memref<48x1024xf32, #tpu.memory_space<hbm>>) target_semaphore(%arg9 : memref<!tpu.dma_semaphore, #tpu.memory_space<semaphore_mem>>)
      } else {
      }
      %eq3A_500 = arith.constant 64 : i32
      %eq3A_501 = arith.cmpi eq, %mul3A_483, %eq3A_500 : i32
      %convert_element_type3A_502 = arith.extui %eq3A_501 : i1 to i32
      %cond3A_503 = arith.constant 0 : i32
      %cond3A_504 = arith.cmpi ne, %convert_element_type3A_502, %cond3A_503 : i32
      scf.if %cond3A_504 {
        %dma_start3A_554 = arith.constant 0 : i32
        %dma_start3A_555 = arith.constant 0 : i32
        %dma_start3A_556 = tpu.memref_slice %arg6[%dma_start3A_554, %dma_start3A_555] : memref<96x1024xf32, #tpu.memory_space<vmem>> -> memref<64x1024xf32, #tpu.memory_space<vmem>>
        %dma_start3A_557 = arith.constant 0 : i32
        %dma_start3A_558 = tpu.memref_slice %arg5[%scan3A_372, %mul3A_2, %dma_start3A_557] : memref<32x2048x1024xf32, #tpu.memory_space<hbm>> -> memref<1x64x1024xf32, #tpu.memory_space<hbm>>
        %dma_start3A_559 = tpu.memref_squeeze %dma_start3A_558 : memref<1x64x1024xf32, #tpu.memory_space<hbm>> -> memref<64x1024xf32, #tpu.memory_space<hbm>>
        %dma_start3A_560 = arith.constant 0 : i32
        %dma_start3A_561 = tpu.memref_slice %arg5[%scan3A_372, %mul3A_2, %dma_start3A_560] : memref<32x2048x1024xf32, #tpu.memory_space<hbm>> -> memref<1x64x1024xf32, #tpu.memory_space<hbm>>
        %dma_start3A_562 = tpu.memref_squeeze %dma_start3A_561 : memref<1x64x1024xf32, #tpu.memory_space<hbm>> -> memref<64x1024xf32, #tpu.memory_space<hbm>>
        %dma_start3A_563 = arith.constant 0 : i32
        %dma_start3A_564 = arith.constant 0 : i32
        %dma_start3A_565 = tpu.memref_slice %arg6[%dma_start3A_563, %dma_start3A_564] : memref<96x1024xf32, #tpu.memory_space<vmem>> -> memref<64x1024xf32, #tpu.memory_space<vmem>>
        tpu.enqueue_dma source(%dma_start3A_565 : memref<64x1024xf32, #tpu.memory_space<vmem>>) target(%dma_start3A_562 : memref<64x1024xf32, #tpu.memory_space<hbm>>) target_semaphore(%arg9 : memref<!tpu.dma_semaphore, #tpu.memory_space<semaphore_mem>>)
      } else {
      }
      %gt3A_505 = arith.constant 0 : i32
      %gt3A_506 = arith.cmpi sgt, %sub3A_484, %gt3A_505 : i32
      %jit3A_507 = arith.constant 16 : i32
      %jit3A_508 = arith.constant 0 : i32
      %select_n3A_509 = arith.select %gt3A_506, %jit3A_507, %jit3A_508 : i32
      %add3A_510 = arith.addi %mul3A_483, %select_n3A_509 : i32
      %sub3A_511 = arith.constant 64 : i32
      %sub3A_512 = arith.subi %sub3A_511, %add3A_510 : i32
      %ge3A_513 = arith.constant 32 : i32
      %ge3A_514 = arith.cmpi sge, %sub3A_512, %ge3A_513 : i32
      %convert_element_type3A_515 = arith.extui %ge3A_514 : i1 to i32
      %cond3A_516 = arith.constant 0 : i32
      %cond3A_517 = arith.cmpi ne, %convert_element_type3A_515, %cond3A_516 : i32
      scf.if %cond3A_517 {
        %add3A_554 = arith.addi %mul3A_2, %add3A_510 : i32
        %dma_start3A_555 = arith.constant 64 : i32
        %dma_start3A_556 = arith.constant 0 : i32
        %dma_start3A_557 = tpu.memref_slice %arg6[%dma_start3A_555, %dma_start3A_556] : memref<96x1024xf32, #tpu.memory_space<vmem>> -> memref<32x1024xf32, #tpu.memory_space<vmem>>
        %dma_start3A_558 = arith.constant 0 : i32
        %dma_start3A_559 = tpu.memref_slice %arg5[%scan3A_372, %add3A_554, %dma_start3A_558] : memref<32x2048x1024xf32, #tpu.memory_space<hbm>> -> memref<1x32x1024xf32, #tpu.memory_space<hbm>>
        %dma_start3A_560 = tpu.memref_squeeze %dma_start3A_559 : memref<1x32x1024xf32, #tpu.memory_space<hbm>> -> memref<32x1024xf32, #tpu.memory_space<hbm>>
        %dma_start3A_561 = arith.constant 0 : i32
        %dma_start3A_562 = tpu.memref_slice %arg5[%scan3A_372, %add3A_554, %dma_start3A_561] : memref<32x2048x1024xf32, #tpu.memory_space<hbm>> -> memref<1x32x1024xf32, #tpu.memory_space<hbm>>
        %dma_start3A_563 = tpu.memref_squeeze %dma_start3A_562 : memref<1x32x1024xf32, #tpu.memory_space<hbm>> -> memref<32x1024xf32, #tpu.memory_space<hbm>>
        %dma_start3A_564 = arith.constant 64 : i32
        %dma_start3A_565 = arith.constant 0 : i32
        %dma_start3A_566 = tpu.memref_slice %arg6[%dma_start3A_564, %dma_start3A_565] : memref<96x1024xf32, #tpu.memory_space<vmem>> -> memref<32x1024xf32, #tpu.memory_space<vmem>>
        tpu.enqueue_dma source(%dma_start3A_566 : memref<32x1024xf32, #tpu.memory_space<vmem>>) target(%dma_start3A_563 : memref<32x1024xf32, #tpu.memory_space<hbm>>) target_semaphore(%arg9 : memref<!tpu.dma_semaphore, #tpu.memory_space<semaphore_mem>>)
      } else {
      }
      %eq3A_518 = arith.constant 64 : i32
      %eq3A_519 = arith.cmpi eq, %sub3A_512, %eq3A_518 : i32
      %convert_element_type3A_520 = arith.extui %eq3A_519 : i1 to i32
      %cond3A_521 = arith.constant 0 : i32
      %cond3A_522 = arith.cmpi ne, %convert_element_type3A_520, %cond3A_521 : i32
      scf.if %cond3A_522 {
        %add3A_554 = arith.addi %mul3A_2, %add3A_510 : i32
        %add3A_555 = arith.constant 32 : i32
        %add3A_556 = arith.addi %add3A_554, %add3A_555 : i32
        %dma_start3A_557 = arith.constant 64 : i32
        %dma_start3A_558 = arith.constant 0 : i32
        %dma_start3A_559 = tpu.memref_slice %arg6[%dma_start3A_557, %dma_start3A_558] : memref<96x1024xf32, #tpu.memory_space<vmem>> -> memref<32x1024xf32, #tpu.memory_space<vmem>>
        %dma_start3A_560 = arith.constant 0 : i32
        %dma_start3A_561 = tpu.memref_slice %arg5[%scan3A_372, %add3A_556, %dma_start3A_560] : memref<32x2048x1024xf32, #tpu.memory_space<hbm>> -> memref<1x32x1024xf32, #tpu.memory_space<hbm>>
        %dma_start3A_562 = tpu.memref_squeeze %dma_start3A_561 : memref<1x32x1024xf32, #tpu.memory_space<hbm>> -> memref<32x1024xf32, #tpu.memory_space<hbm>>
        %dma_start3A_563 = arith.constant 0 : i32
        %dma_start3A_564 = tpu.memref_slice %arg5[%scan3A_372, %add3A_556, %dma_start3A_563] : memref<32x2048x1024xf32, #tpu.memory_space<hbm>> -> memref<1x32x1024xf32, #tpu.memory_space<hbm>>
        %dma_start3A_565 = tpu.memref_squeeze %dma_start3A_564 : memref<1x32x1024xf32, #tpu.memory_space<hbm>> -> memref<32x1024xf32, #tpu.memory_space<hbm>>
        %dma_start3A_566 = arith.constant 64 : i32
        %dma_start3A_567 = arith.constant 0 : i32
        %dma_start3A_568 = tpu.memref_slice %arg6[%dma_start3A_566, %dma_start3A_567] : memref<96x1024xf32, #tpu.memory_space<vmem>> -> memref<32x1024xf32, #tpu.memory_space<vmem>>
        tpu.enqueue_dma source(%dma_start3A_568 : memref<32x1024xf32, #tpu.memory_space<vmem>>) target(%dma_start3A_565 : memref<32x1024xf32, #tpu.memory_space<hbm>>) target_semaphore(%arg9 : memref<!tpu.dma_semaphore, #tpu.memory_space<semaphore_mem>>)
      } else {
      }
      %jit3A_523 = arith.constant 32 : i32
      %eq3A_524 = arith.constant 0 : i32
      %eq3A_525 = arith.cmpi eq, %jit3A_523, %eq3A_524 : i32
      %jit3A_526 = arith.constant 1 : i32
      %select_n3A_527 = arith.select %eq3A_525, %jit3A_526, %jit3A_523 : i32
      %rem3A_528 = arith.remsi %sub3A_512, %select_n3A_527 : i32
      %ne3A_529 = arith.constant 0 : i32
      %ne3A_530 = arith.cmpi ne, %rem3A_528, %ne3A_529 : i32
      %lt3A_531 = arith.constant 0 : i32
      %lt3A_532 = arith.cmpi slt, %rem3A_528, %lt3A_531 : i32
      %lt3A_533 = arith.constant 0 : i32
      %lt3A_534 = arith.cmpi slt, %select_n3A_527, %lt3A_533 : i32
      %ne3A_535 = arith.xori %lt3A_532, %lt3A_534 : i1
      %and3A_536 = arith.andi %ne3A_535, %ne3A_530 : i1
      %add3A_537 = arith.addi %rem3A_528, %select_n3A_527 : i32
      %select_n3A_538 = arith.select %and3A_536, %add3A_537, %rem3A_528 : i32
      %eq3A_539 = arith.constant 16 : i32
      %eq3A_540 = arith.cmpi eq, %select_n3A_538, %eq3A_539 : i32
      %convert_element_type3A_541 = arith.extui %eq3A_540 : i1 to i32
      %cond3A_542 = arith.constant 0 : i32
      %cond3A_543 = arith.cmpi ne, %convert_element_type3A_541, %cond3A_542 : i32
      scf.if %cond3A_543 {
        %add3A_554 = arith.addi %mul3A_2, %add3A_510 : i32
        %add3A_555 = arith.addi %add3A_554, %sub3A_512 : i32
        %sub3A_556 = arith.constant 16 : i32
        %sub3A_557 = arith.subi %add3A_555, %sub3A_556 : i32
        %dma_start3A_558 = arith.constant 64 : i32
        %dma_start3A_559 = arith.constant 0 : i32
        %dma_start3A_560 = tpu.memref_slice %arg6[%dma_start3A_558, %dma_start3A_559] : memref<96x1024xf32, #tpu.memory_space<vmem>> -> memref<16x1024xf32, #tpu.memory_space<vmem>>
        %dma_start3A_561 = arith.constant 0 : i32
        %dma_start3A_562 = tpu.memref_slice %arg5[%scan3A_372, %sub3A_557, %dma_start3A_561] : memref<32x2048x1024xf32, #tpu.memory_space<hbm>> -> memref<1x16x1024xf32, #tpu.memory_space<hbm>>
        %dma_start3A_563 = tpu.memref_squeeze %dma_start3A_562 : memref<1x16x1024xf32, #tpu.memory_space<hbm>> -> memref<16x1024xf32, #tpu.memory_space<hbm>>
        %dma_start3A_564 = arith.constant 0 : i32
        %dma_start3A_565 = tpu.memref_slice %arg5[%scan3A_372, %sub3A_557, %dma_start3A_564] : memref<32x2048x1024xf32, #tpu.memory_space<hbm>> -> memref<1x16x1024xf32, #tpu.memory_space<hbm>>
        %dma_start3A_566 = tpu.memref_squeeze %dma_start3A_565 : memref<1x16x1024xf32, #tpu.memory_space<hbm>> -> memref<16x1024xf32, #tpu.memory_space<hbm>>
        %dma_start3A_567 = arith.constant 64 : i32
        %dma_start3A_568 = arith.constant 0 : i32
        %dma_start3A_569 = tpu.memref_slice %arg6[%dma_start3A_567, %dma_start3A_568] : memref<96x1024xf32, #tpu.memory_space<vmem>> -> memref<16x1024xf32, #tpu.memory_space<vmem>>
        tpu.enqueue_dma source(%dma_start3A_569 : memref<16x1024xf32, #tpu.memory_space<vmem>>) target(%dma_start3A_566 : memref<16x1024xf32, #tpu.memory_space<hbm>>) target_semaphore(%arg9 : memref<!tpu.dma_semaphore, #tpu.memory_space<semaphore_mem>>)
      } else {
      }
      %gt3A_544 = arith.constant 0 : i32
      %gt3A_545 = arith.cmpi sgt, %sub3A_418, %gt3A_544 : i32
      %convert_element_type3A_546 = arith.extui %gt3A_545 : i1 to i32
      %cond3A_547 = arith.constant 0 : i32
      %cond3A_548 = arith.cmpi ne, %convert_element_type3A_546, %cond3A_547 : i32
      scf.if %cond3A_548 {
        %add3A_554 = vector.broadcast %mul3A_417 : i32 to vector<16xi32>
        %add3A_555 = arith.addi %add3A_554, %iota3A : vector<16xi32>
        %lt3A_556 = vector.broadcast %min3A : i32 to vector<16xi32>
        %lt3A_557 = arith.cmpi slt, %add3A_555, %lt3A_556 : vector<16xi32>
        %add3A_558 = arith.addi %mul3A_2, %mul3A_417 : i32
        %add3A_559 = vector.broadcast %add3A_558 : i32 to vector<16xi32>
        %add3A_560 = arith.addi %add3A_559, %iota3A : vector<16xi32>
        %add3A_561 = arith.constant 1 : i32
        %add3A_562 = vector.broadcast %add3A_561 : i32 to vector<16xi32>
        %add3A_563 = arith.addi %add3A_560, %add3A_562 : vector<16xi32>
        %jit3A_564 = arith.constant 0 : i32
        %broadcast_in_dim3A_565 = vector.broadcast %jit3A_564 : i32 to vector<16xi32>
        %select_n3A_566 = arith.select %lt3A_557, %add3A_563, %broadcast_in_dim3A_565 : vector<16xi1>, vector<16xi32>
        %dma_wait3A_567 = arith.constant 0 : i32
        %dma_wait3A_568 = arith.constant 0 : i32
        %dma_wait3A_569 = tpu.memref_slice %arg3[%dma_wait3A_567, %dma_wait3A_568] : memref<2049x1024xf32, #tpu.memory_space<hbm>> -> memref<2049x1024xf32, #tpu.memory_space<hbm>>
        tpu.wait_indirect_dma semaphore(%arg10 : memref<!tpu.dma_semaphore, #tpu.memory_space<semaphore_mem>>) src(%dma_wait3A_569 : memref<2049x1024xf32, #tpu.memory_space<hbm>>) dst(%arg7 : memref<16x1024xf32, #tpu.memory_space<vmem>>)
        %add3A_570 = arith.addi %mul3A_2, %mul3A_417 : i32
        %dma_start3A_571 = arith.constant 0 : i32
        %dma_start3A_572 = tpu.memref_slice %arg5[%scan3A_372, %add3A_570, %dma_start3A_571] : memref<32x2048x1024xf32, #tpu.memory_space<hbm>> -> memref<1x16x1024xf32, #tpu.memory_space<hbm>>
        %dma_start3A_573 = tpu.memref_squeeze %dma_start3A_572 : memref<1x16x1024xf32, #tpu.memory_space<hbm>> -> memref<16x1024xf32, #tpu.memory_space<hbm>>
        %dma_start3A_574 = arith.constant 0 : i32
        %dma_start3A_575 = tpu.memref_slice %arg5[%scan3A_372, %add3A_570, %dma_start3A_574] : memref<32x2048x1024xf32, #tpu.memory_space<hbm>> -> memref<1x16x1024xf32, #tpu.memory_space<hbm>>
        %dma_start3A_576 = tpu.memref_squeeze %dma_start3A_575 : memref<1x16x1024xf32, #tpu.memory_space<hbm>> -> memref<16x1024xf32, #tpu.memory_space<hbm>>
        tpu.enqueue_dma source(%arg7 : memref<16x1024xf32, #tpu.memory_space<vmem>>) target(%dma_start3A_576 : memref<16x1024xf32, #tpu.memory_space<hbm>>) target_semaphore(%arg11 : memref<!tpu.dma_semaphore, #tpu.memory_space<semaphore_mem>>)
      } else {
      }
      %ge3A_549 = arith.constant 3 : i32
      %ge3A_550 = arith.cmpi sge, %scan3A_372, %ge3A_549 : i32
      %convert_element_type3A_551 = arith.extui %ge3A_550 : i1 to i32
      %cond3A_552 = arith.constant 0 : i32
      %cond3A_553 = arith.cmpi ne, %convert_element_type3A_551, %cond3A_552 : i32
      scf.if %cond3A_553 {
        %sub3A_554 = arith.constant 3 : i32
        %sub3A_555 = arith.subi %scan3A_372, %sub3A_554 : i32
        %jit3A_556 = arith.constant 16 : i32
        %div3A_557 = arith.divsi %scan3A_375, %jit3A_556 : i32
        %sign3A_558 = arith.constant 0 : i32
        %sign3A_559 = arith.cmpi sgt, %scan3A_375, %sign3A_558 : i32
        %sign3A_560 = arith.extui %sign3A_559 : i1 to i32
        %sign3A_561 = arith.constant 0 : i32
        %sign3A_562 = arith.cmpi slt, %scan3A_375, %sign3A_561 : i32
        %sign3A_563 = arith.extui %sign3A_562 : i1 to i32
        %sign3A_564 = arith.subi %sign3A_560, %sign3A_563 : i32
        %sign3A_565 = arith.constant 0 : i32
        %sign3A_566 = arith.cmpi sgt, %jit3A_556, %sign3A_565 : i32
        %sign3A_567 = arith.extui %sign3A_566 : i1 to i32
        %sign3A_568 = arith.constant 0 : i32
        %sign3A_569 = arith.cmpi slt, %jit3A_556, %sign3A_568 : i32
        %sign3A_570 = arith.extui %sign3A_569 : i1 to i32
        %sign3A_571 = arith.subi %sign3A_567, %sign3A_570 : i32
        %ne3A_572 = arith.cmpi ne, %sign3A_564, %sign3A_571 : i32
        %rem3A_573 = arith.remsi %scan3A_375, %jit3A_556 : i32
        %ne3A_574 = arith.constant 0 : i32
        %ne3A_575 = arith.cmpi ne, %rem3A_573, %ne3A_574 : i32
        %and3A_576 = arith.andi %ne3A_572, %ne3A_575 : i1
        %sub3A_577 = arith.constant 1 : i32
        %sub3A_578 = arith.subi %div3A_557, %sub3A_577 : i32
        %select_n3A_579 = arith.select %and3A_576, %sub3A_578, %div3A_557 : i32
        %mul3A_580 = arith.constant 16 : i32
        %mul3A_581 = arith.muli %select_n3A_579, %mul3A_580 : i32
        %sub3A_582 = arith.subi %scan3A_375, %mul3A_581 : i32
        %eq3A_583 = arith.constant 16 : i32
        %eq3A_584 = arith.cmpi eq, %mul3A_581, %eq3A_583 : i32
        %convert_element_type3A_585 = arith.extui %eq3A_584 : i1 to i32
        %cond3A_586 = arith.constant 0 : i32
        %cond3A_587 = arith.cmpi ne, %convert_element_type3A_585, %cond3A_586 : i32
        scf.if %cond3A_587 {
          %dma_wait3A_642 = arith.constant 0 : i32
          %dma_wait3A_643 = arith.constant 0 : i32
          %dma_wait3A_644 = tpu.memref_slice %arg6[%dma_wait3A_642, %dma_wait3A_643] : memref<96x1024xf32, #tpu.memory_space<vmem>> -> memref<16x1024xf32, #tpu.memory_space<vmem>>
          %dma_wait3A_645 = arith.constant 0 : i32
          %dma_wait3A_646 = tpu.memref_slice %arg5[%sub3A_555, %mul3A_2, %dma_wait3A_645] : memref<32x2048x1024xf32, #tpu.memory_space<hbm>> -> memref<1x16x1024xf32, #tpu.memory_space<hbm>>
          %dma_wait3A_647 = tpu.memref_squeeze %dma_wait3A_646 : memref<1x16x1024xf32, #tpu.memory_space<hbm>> -> memref<16x1024xf32, #tpu.memory_space<hbm>>
          %dma_wait3A_648 = arith.constant 0 : i32
          %dma_wait3A_649 = tpu.memref_slice %arg5[%sub3A_555, %mul3A_2, %dma_wait3A_648] : memref<32x2048x1024xf32, #tpu.memory_space<hbm>> -> memref<1x16x1024xf32, #tpu.memory_space<hbm>>
          %dma_wait3A_650 = tpu.memref_squeeze %dma_wait3A_649 : memref<1x16x1024xf32, #tpu.memory_space<hbm>> -> memref<16x1024xf32, #tpu.memory_space<hbm>>
          %dma_wait3A_651 = arith.constant 0 : i32
          %dma_wait3A_652 = arith.constant 0 : i32
          %dma_wait3A_653 = tpu.memref_slice %arg6[%dma_wait3A_651, %dma_wait3A_652] : memref<96x1024xf32, #tpu.memory_space<vmem>> -> memref<16x1024xf32, #tpu.memory_space<vmem>>
          tpu.wait_dma2 semaphore(%arg9 : memref<!tpu.dma_semaphore, #tpu.memory_space<semaphore_mem>>) src(%dma_wait3A_653 : memref<16x1024xf32, #tpu.memory_space<vmem>>) dst(%dma_wait3A_650 : memref<16x1024xf32, #tpu.memory_space<hbm>>)
        } else {
        }
        %eq3A_588 = arith.constant 32 : i32
        %eq3A_589 = arith.cmpi eq, %mul3A_581, %eq3A_588 : i32
        %convert_element_type3A_590 = arith.extui %eq3A_589 : i1 to i32
        %cond3A_591 = arith.constant 0 : i32
        %cond3A_592 = arith.cmpi ne, %convert_element_type3A_590, %cond3A_591 : i32
        scf.if %cond3A_592 {
          %dma_wait3A_642 = arith.constant 0 : i32
          %dma_wait3A_643 = arith.constant 0 : i32
          %dma_wait3A_644 = tpu.memref_slice %arg6[%dma_wait3A_642, %dma_wait3A_643] : memref<96x1024xf32, #tpu.memory_space<vmem>> -> memref<32x1024xf32, #tpu.memory_space<vmem>>
          %dma_wait3A_645 = arith.constant 0 : i32
          %dma_wait3A_646 = tpu.memref_slice %arg5[%sub3A_555, %mul3A_2, %dma_wait3A_645] : memref<32x2048x1024xf32, #tpu.memory_space<hbm>> -> memref<1x32x1024xf32, #tpu.memory_space<hbm>>
          %dma_wait3A_647 = tpu.memref_squeeze %dma_wait3A_646 : memref<1x32x1024xf32, #tpu.memory_space<hbm>> -> memref<32x1024xf32, #tpu.memory_space<hbm>>
          %dma_wait3A_648 = arith.constant 0 : i32
          %dma_wait3A_649 = tpu.memref_slice %arg5[%sub3A_555, %mul3A_2, %dma_wait3A_648] : memref<32x2048x1024xf32, #tpu.memory_space<hbm>> -> memref<1x32x1024xf32, #tpu.memory_space<hbm>>
          %dma_wait3A_650 = tpu.memref_squeeze %dma_wait3A_649 : memref<1x32x1024xf32, #tpu.memory_space<hbm>> -> memref<32x1024xf32, #tpu.memory_space<hbm>>
          %dma_wait3A_651 = arith.constant 0 : i32
          %dma_wait3A_652 = arith.constant 0 : i32
          %dma_wait3A_653 = tpu.memref_slice %arg6[%dma_wait3A_651, %dma_wait3A_652] : memref<96x1024xf32, #tpu.memory_space<vmem>> -> memref<32x1024xf32, #tpu.memory_space<vmem>>
          tpu.wait_dma2 semaphore(%arg9 : memref<!tpu.dma_semaphore, #tpu.memory_space<semaphore_mem>>) src(%dma_wait3A_653 : memref<32x1024xf32, #tpu.memory_space<vmem>>) dst(%dma_wait3A_650 : memref<32x1024xf32, #tpu.memory_space<hbm>>)
        } else {
        }
        %eq3A_593 = arith.constant 48 : i32
        %eq3A_594 = arith.cmpi eq, %mul3A_581, %eq3A_593 : i32
        %convert_element_type3A_595 = arith.extui %eq3A_594 : i1 to i32
        %cond3A_596 = arith.constant 0 : i32
        %cond3A_597 = arith.cmpi ne, %convert_element_type3A_595, %cond3A_596 : i32
        scf.if %cond3A_597 {
          %dma_wait3A_642 = arith.constant 0 : i32
          %dma_wait3A_643 = arith.constant 0 : i32
          %dma_wait3A_644 = tpu.memref_slice %arg6[%dma_wait3A_642, %dma_wait3A_643] : memref<96x1024xf32, #tpu.memory_space<vmem>> -> memref<48x1024xf32, #tpu.memory_space<vmem>>
          %dma_wait3A_645 = arith.constant 0 : i32
          %dma_wait3A_646 = tpu.memref_slice %arg5[%sub3A_555, %mul3A_2, %dma_wait3A_645] : memref<32x2048x1024xf32, #tpu.memory_space<hbm>> -> memref<1x48x1024xf32, #tpu.memory_space<hbm>>
          %dma_wait3A_647 = tpu.memref_squeeze %dma_wait3A_646 : memref<1x48x1024xf32, #tpu.memory_space<hbm>> -> memref<48x1024xf32, #tpu.memory_space<hbm>>
          %dma_wait3A_648 = arith.constant 0 : i32
          %dma_wait3A_649 = tpu.memref_slice %arg5[%sub3A_555, %mul3A_2, %dma_wait3A_648] : memref<32x2048x1024xf32, #tpu.memory_space<hbm>> -> memref<1x48x1024xf32, #tpu.memory_space<hbm>>
          %dma_wait3A_650 = tpu.memref_squeeze %dma_wait3A_649 : memref<1x48x1024xf32, #tpu.memory_space<hbm>> -> memref<48x1024xf32, #tpu.memory_space<hbm>>
          %dma_wait3A_651 = arith.constant 0 : i32
          %dma_wait3A_652 = arith.constant 0 : i32
          %dma_wait3A_653 = tpu.memref_slice %arg6[%dma_wait3A_651, %dma_wait3A_652] : memref<96x1024xf32, #tpu.memory_space<vmem>> -> memref<48x1024xf32, #tpu.memory_space<vmem>>
          tpu.wait_dma2 semaphore(%arg9 : memref<!tpu.dma_semaphore, #tpu.memory_space<semaphore_mem>>) src(%dma_wait3A_653 : memref<48x1024xf32, #tpu.memory_space<vmem>>) dst(%dma_wait3A_650 : memref<48x1024xf32, #tpu.memory_space<hbm>>)
        } else {
        }
        %eq3A_598 = arith.constant 64 : i32
        %eq3A_599 = arith.cmpi eq, %mul3A_581, %eq3A_598 : i32
        %convert_element_type3A_600 = arith.extui %eq3A_599 : i1 to i32
        %cond3A_601 = arith.constant 0 : i32
        %cond3A_602 = arith.cmpi ne, %convert_element_type3A_600, %cond3A_601 : i32
        scf.if %cond3A_602 {
          %dma_wait3A_642 = arith.constant 0 : i32
          %dma_wait3A_643 = arith.constant 0 : i32
          %dma_wait3A_644 = tpu.memref_slice %arg6[%dma_wait3A_642, %dma_wait3A_643] : memref<96x1024xf32, #tpu.memory_space<vmem>> -> memref<64x1024xf32, #tpu.memory_space<vmem>>
          %dma_wait3A_645 = arith.constant 0 : i32
          %dma_wait3A_646 = tpu.memref_slice %arg5[%sub3A_555, %mul3A_2, %dma_wait3A_645] : memref<32x2048x1024xf32, #tpu.memory_space<hbm>> -> memref<1x64x1024xf32, #tpu.memory_space<hbm>>
          %dma_wait3A_647 = tpu.memref_squeeze %dma_wait3A_646 : memref<1x64x1024xf32, #tpu.memory_space<hbm>> -> memref<64x1024xf32, #tpu.memory_space<hbm>>
          %dma_wait3A_648 = arith.constant 0 : i32
          %dma_wait3A_649 = tpu.memref_slice %arg5[%sub3A_555, %mul3A_2, %dma_wait3A_648] : memref<32x2048x1024xf32, #tpu.memory_space<hbm>> -> memref<1x64x1024xf32, #tpu.memory_space<hbm>>
          %dma_wait3A_650 = tpu.memref_squeeze %dma_wait3A_649 : memref<1x64x1024xf32, #tpu.memory_space<hbm>> -> memref<64x1024xf32, #tpu.memory_space<hbm>>
          %dma_wait3A_651 = arith.constant 0 : i32
          %dma_wait3A_652 = arith.constant 0 : i32
          %dma_wait3A_653 = tpu.memref_slice %arg6[%dma_wait3A_651, %dma_wait3A_652] : memref<96x1024xf32, #tpu.memory_space<vmem>> -> memref<64x1024xf32, #tpu.memory_space<vmem>>
          tpu.wait_dma2 semaphore(%arg9 : memref<!tpu.dma_semaphore, #tpu.memory_space<semaphore_mem>>) src(%dma_wait3A_653 : memref<64x1024xf32, #tpu.memory_space<vmem>>) dst(%dma_wait3A_650 : memref<64x1024xf32, #tpu.memory_space<hbm>>)
        } else {
        }
        %gt3A_603 = arith.constant 0 : i32
        %gt3A_604 = arith.cmpi sgt, %sub3A_582, %gt3A_603 : i32
        %jit3A_605 = arith.constant 16 : i32
        %jit3A_606 = arith.constant 0 : i32
        %select_n3A_607 = arith.select %gt3A_604, %jit3A_605, %jit3A_606 : i32
        %add3A_608 = arith.addi %mul3A_581, %select_n3A_607 : i32
        %sub3A_609 = arith.constant 64 : i32
        %sub3A_610 = arith.subi %sub3A_609, %add3A_608 : i32
        %ge3A_611 = arith.constant 32 : i32
        %ge3A_612 = arith.cmpi sge, %sub3A_610, %ge3A_611 : i32
        %convert_element_type3A_613 = arith.extui %ge3A_612 : i1 to i32
        %cond3A_614 = arith.constant 0 : i32
        %cond3A_615 = arith.cmpi ne, %convert_element_type3A_613, %cond3A_614 : i32
        scf.if %cond3A_615 {
          %add3A_642 = arith.addi %mul3A_2, %add3A_608 : i32
          %dma_wait3A_643 = arith.constant 64 : i32
          %dma_wait3A_644 = arith.constant 0 : i32
          %dma_wait3A_645 = tpu.memref_slice %arg6[%dma_wait3A_643, %dma_wait3A_644] : memref<96x1024xf32, #tpu.memory_space<vmem>> -> memref<32x1024xf32, #tpu.memory_space<vmem>>
          %dma_wait3A_646 = arith.constant 0 : i32
          %dma_wait3A_647 = tpu.memref_slice %arg5[%sub3A_555, %add3A_642, %dma_wait3A_646] : memref<32x2048x1024xf32, #tpu.memory_space<hbm>> -> memref<1x32x1024xf32, #tpu.memory_space<hbm>>
          %dma_wait3A_648 = tpu.memref_squeeze %dma_wait3A_647 : memref<1x32x1024xf32, #tpu.memory_space<hbm>> -> memref<32x1024xf32, #tpu.memory_space<hbm>>
          %dma_wait3A_649 = arith.constant 0 : i32
          %dma_wait3A_650 = tpu.memref_slice %arg5[%sub3A_555, %add3A_642, %dma_wait3A_649] : memref<32x2048x1024xf32, #tpu.memory_space<hbm>> -> memref<1x32x1024xf32, #tpu.memory_space<hbm>>
          %dma_wait3A_651 = tpu.memref_squeeze %dma_wait3A_650 : memref<1x32x1024xf32, #tpu.memory_space<hbm>> -> memref<32x1024xf32, #tpu.memory_space<hbm>>
          %dma_wait3A_652 = arith.constant 64 : i32
          %dma_wait3A_653 = arith.constant 0 : i32
          %dma_wait3A_654 = tpu.memref_slice %arg6[%dma_wait3A_652, %dma_wait3A_653] : memref<96x1024xf32, #tpu.memory_space<vmem>> -> memref<32x1024xf32, #tpu.memory_space<vmem>>
          tpu.wait_dma2 semaphore(%arg9 : memref<!tpu.dma_semaphore, #tpu.memory_space<semaphore_mem>>) src(%dma_wait3A_654 : memref<32x1024xf32, #tpu.memory_space<vmem>>) dst(%dma_wait3A_651 : memref<32x1024xf32, #tpu.memory_space<hbm>>)
        } else {
        }
        %eq3A_616 = arith.constant 64 : i32
        %eq3A_617 = arith.cmpi eq, %sub3A_610, %eq3A_616 : i32
        %convert_element_type3A_618 = arith.extui %eq3A_617 : i1 to i32
        %cond3A_619 = arith.constant 0 : i32
        %cond3A_620 = arith.cmpi ne, %convert_element_type3A_618, %cond3A_619 : i32
        scf.if %cond3A_620 {
          %add3A_642 = arith.addi %mul3A_2, %add3A_608 : i32
          %add3A_643 = arith.constant 32 : i32
          %add3A_644 = arith.addi %add3A_642, %add3A_643 : i32
          %dma_wait3A_645 = arith.constant 64 : i32
          %dma_wait3A_646 = arith.constant 0 : i32
          %dma_wait3A_647 = tpu.memref_slice %arg6[%dma_wait3A_645, %dma_wait3A_646] : memref<96x1024xf32, #tpu.memory_space<vmem>> -> memref<32x1024xf32, #tpu.memory_space<vmem>>
          %dma_wait3A_648 = arith.constant 0 : i32
          %dma_wait3A_649 = tpu.memref_slice %arg5[%sub3A_555, %add3A_644, %dma_wait3A_648] : memref<32x2048x1024xf32, #tpu.memory_space<hbm>> -> memref<1x32x1024xf32, #tpu.memory_space<hbm>>
          %dma_wait3A_650 = tpu.memref_squeeze %dma_wait3A_649 : memref<1x32x1024xf32, #tpu.memory_space<hbm>> -> memref<32x1024xf32, #tpu.memory_space<hbm>>
          %dma_wait3A_651 = arith.constant 0 : i32
          %dma_wait3A_652 = tpu.memref_slice %arg5[%sub3A_555, %add3A_644, %dma_wait3A_651] : memref<32x2048x1024xf32, #tpu.memory_space<hbm>> -> memref<1x32x1024xf32, #tpu.memory_space<hbm>>
          %dma_wait3A_653 = tpu.memref_squeeze %dma_wait3A_652 : memref<1x32x1024xf32, #tpu.memory_space<hbm>> -> memref<32x1024xf32, #tpu.memory_space<hbm>>
          %dma_wait3A_654 = arith.constant 64 : i32
          %dma_wait3A_655 = arith.constant 0 : i32
          %dma_wait3A_656 = tpu.memref_slice %arg6[%dma_wait3A_654, %dma_wait3A_655] : memref<96x1024xf32, #tpu.memory_space<vmem>> -> memref<32x1024xf32, #tpu.memory_space<vmem>>
          tpu.wait_dma2 semaphore(%arg9 : memref<!tpu.dma_semaphore, #tpu.memory_space<semaphore_mem>>) src(%dma_wait3A_656 : memref<32x1024xf32, #tpu.memory_space<vmem>>) dst(%dma_wait3A_653 : memref<32x1024xf32, #tpu.memory_space<hbm>>)
        } else {
        }
        %jit3A_621 = arith.constant 32 : i32
        %eq3A_622 = arith.constant 0 : i32
        %eq3A_623 = arith.cmpi eq, %jit3A_621, %eq3A_622 : i32
        %jit3A_624 = arith.constant 1 : i32
        %select_n3A_625 = arith.select %eq3A_623, %jit3A_624, %jit3A_621 : i32
        %rem3A_626 = arith.remsi %sub3A_610, %select_n3A_625 : i32
        %ne3A_627 = arith.constant 0 : i32
        %ne3A_628 = arith.cmpi ne, %rem3A_626, %ne3A_627 : i32
        %lt3A_629 = arith.constant 0 : i32
        %lt3A_630 = arith.cmpi slt, %rem3A_626, %lt3A_629 : i32
        %lt3A_631 = arith.constant 0 : i32
        %lt3A_632 = arith.cmpi slt, %select_n3A_625, %lt3A_631 : i32
        %ne3A_633 = arith.xori %lt3A_630, %lt3A_632 : i1
        %and3A_634 = arith.andi %ne3A_633, %ne3A_628 : i1
        %add3A_635 = arith.addi %rem3A_626, %select_n3A_625 : i32
        %select_n3A_636 = arith.select %and3A_634, %add3A_635, %rem3A_626 : i32
        %eq3A_637 = arith.constant 16 : i32
        %eq3A_638 = arith.cmpi eq, %select_n3A_636, %eq3A_637 : i32
        %convert_element_type3A_639 = arith.extui %eq3A_638 : i1 to i32
        %cond3A_640 = arith.constant 0 : i32
        %cond3A_641 = arith.cmpi ne, %convert_element_type3A_639, %cond3A_640 : i32
        scf.if %cond3A_641 {
          %add3A_642 = arith.addi %mul3A_2, %add3A_608 : i32
          %add3A_643 = arith.addi %add3A_642, %sub3A_610 : i32
          %sub3A_644 = arith.constant 16 : i32
          %sub3A_645 = arith.subi %add3A_643, %sub3A_644 : i32
          %dma_wait3A_646 = arith.constant 64 : i32
          %dma_wait3A_647 = arith.constant 0 : i32
          %dma_wait3A_648 = tpu.memref_slice %arg6[%dma_wait3A_646, %dma_wait3A_647] : memref<96x1024xf32, #tpu.memory_space<vmem>> -> memref<16x1024xf32, #tpu.memory_space<vmem>>
          %dma_wait3A_649 = arith.constant 0 : i32
          %dma_wait3A_650 = tpu.memref_slice %arg5[%sub3A_555, %sub3A_645, %dma_wait3A_649] : memref<32x2048x1024xf32, #tpu.memory_space<hbm>> -> memref<1x16x1024xf32, #tpu.memory_space<hbm>>
          %dma_wait3A_651 = tpu.memref_squeeze %dma_wait3A_650 : memref<1x16x1024xf32, #tpu.memory_space<hbm>> -> memref<16x1024xf32, #tpu.memory_space<hbm>>
          %dma_wait3A_652 = arith.constant 0 : i32
          %dma_wait3A_653 = tpu.memref_slice %arg5[%sub3A_555, %sub3A_645, %dma_wait3A_652] : memref<32x2048x1024xf32, #tpu.memory_space<hbm>> -> memref<1x16x1024xf32, #tpu.memory_space<hbm>>
          %dma_wait3A_654 = tpu.memref_squeeze %dma_wait3A_653 : memref<1x16x1024xf32, #tpu.memory_space<hbm>> -> memref<16x1024xf32, #tpu.memory_space<hbm>>
          %dma_wait3A_655 = arith.constant 64 : i32
          %dma_wait3A_656 = arith.constant 0 : i32
          %dma_wait3A_657 = tpu.memref_slice %arg6[%dma_wait3A_655, %dma_wait3A_656] : memref<96x1024xf32, #tpu.memory_space<vmem>> -> memref<16x1024xf32, #tpu.memory_space<vmem>>
          tpu.wait_dma2 semaphore(%arg9 : memref<!tpu.dma_semaphore, #tpu.memory_space<semaphore_mem>>) src(%dma_wait3A_657 : memref<16x1024xf32, #tpu.memory_space<vmem>>) dst(%dma_wait3A_654 : memref<16x1024xf32, #tpu.memory_space<hbm>>)
        } else {
        }
      } else {
      }
      scf.yield %min3A, %scan3A_373, %scan3A_374 : i32, i32, i32
    }
    %scan3A_95 = arith.constant 32 : i32
    %jit3A = arith.constant 16 : i32
    %div3A = arith.divsi %scan3A_94#2, %jit3A : i32
    %sign3A = arith.constant 0 : i32
    %sign3A_96 = arith.cmpi sgt, %scan3A_94#2, %sign3A : i32
    %sign3A_97 = arith.extui %sign3A_96 : i1 to i32
    %sign3A_98 = arith.constant 0 : i32
    %sign3A_99 = arith.cmpi slt, %scan3A_94#2, %sign3A_98 : i32
    %sign3A_100 = arith.extui %sign3A_99 : i1 to i32
    %sign3A_101 = arith.subi %sign3A_97, %sign3A_100 : i32
    %sign3A_102 = arith.constant 0 : i32
    %sign3A_103 = arith.cmpi sgt, %jit3A, %sign3A_102 : i32
    %sign3A_104 = arith.extui %sign3A_103 : i1 to i32
    %sign3A_105 = arith.constant 0 : i32
    %sign3A_106 = arith.cmpi slt, %jit3A, %sign3A_105 : i32
    %sign3A_107 = arith.extui %sign3A_106 : i1 to i32
    %sign3A_108 = arith.subi %sign3A_104, %sign3A_107 : i32
    %ne3A = arith.cmpi ne, %sign3A_101, %sign3A_108 : i32
    %rem3A = arith.remsi %scan3A_94#2, %jit3A : i32
    %ne3A_109 = arith.constant 0 : i32
    %ne3A_110 = arith.cmpi ne, %rem3A, %ne3A_109 : i32
    %and3A = arith.andi %ne3A, %ne3A_110 : i1
    %sub3A = arith.constant 1 : i32
    %sub3A_111 = arith.subi %div3A, %sub3A : i32
    %select_n3A = arith.select %and3A, %sub3A_111, %div3A : i32
    %mul3A_112 = arith.constant 16 : i32
    %mul3A_113 = arith.muli %select_n3A, %mul3A_112 : i32
    %sub3A_114 = arith.subi %scan3A_94#2, %mul3A_113 : i32
    %eq3A = arith.constant 16 : i32
    %eq3A_115 = arith.cmpi eq, %mul3A_113, %eq3A : i32
    %convert_element_type3A = arith.extui %eq3A_115 : i1 to i32
    %cond3A = arith.constant 0 : i32
    %cond3A_116 = arith.cmpi ne, %convert_element_type3A, %cond3A : i32
    scf.if %cond3A_116 {
      %dma_wait3A_372 = arith.constant 29 : i32
      %dma_wait3A_373 = arith.constant 0 : i32
      %dma_wait3A_374 = arith.constant 0 : i32
      %dma_wait3A_375 = tpu.memref_slice %arg6[%dma_wait3A_373, %dma_wait3A_374] : memref<96x1024xf32, #tpu.memory_space<vmem>> -> memref<16x1024xf32, #tpu.memory_space<vmem>>
      %dma_wait3A_376 = arith.constant 0 : i32
      %dma_wait3A_377 = tpu.memref_slice %arg5[%dma_wait3A_372, %mul3A_2, %dma_wait3A_376] : memref<32x2048x1024xf32, #tpu.memory_space<hbm>> -> memref<1x16x1024xf32, #tpu.memory_space<hbm>>
      %dma_wait3A_378 = tpu.memref_squeeze %dma_wait3A_377 : memref<1x16x1024xf32, #tpu.memory_space<hbm>> -> memref<16x1024xf32, #tpu.memory_space<hbm>>
      %dma_wait3A_379 = arith.constant 0 : i32
      %dma_wait3A_380 = tpu.memref_slice %arg5[%dma_wait3A_372, %mul3A_2, %dma_wait3A_379] : memref<32x2048x1024xf32, #tpu.memory_space<hbm>> -> memref<1x16x1024xf32, #tpu.memory_space<hbm>>
      %dma_wait3A_381 = tpu.memref_squeeze %dma_wait3A_380 : memref<1x16x1024xf32, #tpu.memory_space<hbm>> -> memref<16x1024xf32, #tpu.memory_space<hbm>>
      %dma_wait3A_382 = arith.constant 0 : i32
      %dma_wait3A_383 = arith.constant 0 : i32
      %dma_wait3A_384 = tpu.memref_slice %arg6[%dma_wait3A_382, %dma_wait3A_383] : memref<96x1024xf32, #tpu.memory_space<vmem>> -> memref<16x1024xf32, #tpu.memory_space<vmem>>
      tpu.wait_dma2 semaphore(%arg9 : memref<!tpu.dma_semaphore, #tpu.memory_space<semaphore_mem>>) src(%dma_wait3A_384 : memref<16x1024xf32, #tpu.memory_space<vmem>>) dst(%dma_wait3A_381 : memref<16x1024xf32, #tpu.memory_space<hbm>>)
    } else {
    }
    %eq3A_117 = arith.constant 32 : i32
    %eq3A_118 = arith.cmpi eq, %mul3A_113, %eq3A_117 : i32
    %convert_element_type3A_119 = arith.extui %eq3A_118 : i1 to i32
    %cond3A_120 = arith.constant 0 : i32
    %cond3A_121 = arith.cmpi ne, %convert_element_type3A_119, %cond3A_120 : i32
    scf.if %cond3A_121 {
      %dma_wait3A_372 = arith.constant 29 : i32
      %dma_wait3A_373 = arith.constant 0 : i32
      %dma_wait3A_374 = arith.constant 0 : i32
      %dma_wait3A_375 = tpu.memref_slice %arg6[%dma_wait3A_373, %dma_wait3A_374] : memref<96x1024xf32, #tpu.memory_space<vmem>> -> memref<32x1024xf32, #tpu.memory_space<vmem>>
      %dma_wait3A_376 = arith.constant 0 : i32
      %dma_wait3A_377 = tpu.memref_slice %arg5[%dma_wait3A_372, %mul3A_2, %dma_wait3A_376] : memref<32x2048x1024xf32, #tpu.memory_space<hbm>> -> memref<1x32x1024xf32, #tpu.memory_space<hbm>>
      %dma_wait3A_378 = tpu.memref_squeeze %dma_wait3A_377 : memref<1x32x1024xf32, #tpu.memory_space<hbm>> -> memref<32x1024xf32, #tpu.memory_space<hbm>>
      %dma_wait3A_379 = arith.constant 0 : i32
      %dma_wait3A_380 = tpu.memref_slice %arg5[%dma_wait3A_372, %mul3A_2, %dma_wait3A_379] : memref<32x2048x1024xf32, #tpu.memory_space<hbm>> -> memref<1x32x1024xf32, #tpu.memory_space<hbm>>
      %dma_wait3A_381 = tpu.memref_squeeze %dma_wait3A_380 : memref<1x32x1024xf32, #tpu.memory_space<hbm>> -> memref<32x1024xf32, #tpu.memory_space<hbm>>
      %dma_wait3A_382 = arith.constant 0 : i32
      %dma_wait3A_383 = arith.constant 0 : i32
      %dma_wait3A_384 = tpu.memref_slice %arg6[%dma_wait3A_382, %dma_wait3A_383] : memref<96x1024xf32, #tpu.memory_space<vmem>> -> memref<32x1024xf32, #tpu.memory_space<vmem>>
      tpu.wait_dma2 semaphore(%arg9 : memref<!tpu.dma_semaphore, #tpu.memory_space<semaphore_mem>>) src(%dma_wait3A_384 : memref<32x1024xf32, #tpu.memory_space<vmem>>) dst(%dma_wait3A_381 : memref<32x1024xf32, #tpu.memory_space<hbm>>)
    } else {
    }
    %eq3A_122 = arith.constant 48 : i32
    %eq3A_123 = arith.cmpi eq, %mul3A_113, %eq3A_122 : i32
    %convert_element_type3A_124 = arith.extui %eq3A_123 : i1 to i32
    %cond3A_125 = arith.constant 0 : i32
    %cond3A_126 = arith.cmpi ne, %convert_element_type3A_124, %cond3A_125 : i32
    scf.if %cond3A_126 {
      %dma_wait3A_372 = arith.constant 29 : i32
      %dma_wait3A_373 = arith.constant 0 : i32
      %dma_wait3A_374 = arith.constant 0 : i32
      %dma_wait3A_375 = tpu.memref_slice %arg6[%dma_wait3A_373, %dma_wait3A_374] : memref<96x1024xf32, #tpu.memory_space<vmem>> -> memref<48x1024xf32, #tpu.memory_space<vmem>>
      %dma_wait3A_376 = arith.constant 0 : i32
      %dma_wait3A_377 = tpu.memref_slice %arg5[%dma_wait3A_372, %mul3A_2, %dma_wait3A_376] : memref<32x2048x1024xf32, #tpu.memory_space<hbm>> -> memref<1x48x1024xf32, #tpu.memory_space<hbm>>
      %dma_wait3A_378 = tpu.memref_squeeze %dma_wait3A_377 : memref<1x48x1024xf32, #tpu.memory_space<hbm>> -> memref<48x1024xf32, #tpu.memory_space<hbm>>
      %dma_wait3A_379 = arith.constant 0 : i32
      %dma_wait3A_380 = tpu.memref_slice %arg5[%dma_wait3A_372, %mul3A_2, %dma_wait3A_379] : memref<32x2048x1024xf32, #tpu.memory_space<hbm>> -> memref<1x48x1024xf32, #tpu.memory_space<hbm>>
      %dma_wait3A_381 = tpu.memref_squeeze %dma_wait3A_380 : memref<1x48x1024xf32, #tpu.memory_space<hbm>> -> memref<48x1024xf32, #tpu.memory_space<hbm>>
      %dma_wait3A_382 = arith.constant 0 : i32
      %dma_wait3A_383 = arith.constant 0 : i32
      %dma_wait3A_384 = tpu.memref_slice %arg6[%dma_wait3A_382, %dma_wait3A_383] : memref<96x1024xf32, #tpu.memory_space<vmem>> -> memref<48x1024xf32, #tpu.memory_space<vmem>>
      tpu.wait_dma2 semaphore(%arg9 : memref<!tpu.dma_semaphore, #tpu.memory_space<semaphore_mem>>) src(%dma_wait3A_384 : memref<48x1024xf32, #tpu.memory_space<vmem>>) dst(%dma_wait3A_381 : memref<48x1024xf32, #tpu.memory_space<hbm>>)
    } else {
    }
    %eq3A_127 = arith.constant 64 : i32
    %eq3A_128 = arith.cmpi eq, %mul3A_113, %eq3A_127 : i32
    %convert_element_type3A_129 = arith.extui %eq3A_128 : i1 to i32
    %cond3A_130 = arith.constant 0 : i32
    %cond3A_131 = arith.cmpi ne, %convert_element_type3A_129, %cond3A_130 : i32
    scf.if %cond3A_131 {
      %dma_wait3A_372 = arith.constant 29 : i32
      %dma_wait3A_373 = arith.constant 0 : i32
      %dma_wait3A_374 = arith.constant 0 : i32
      %dma_wait3A_375 = tpu.memref_slice %arg6[%dma_wait3A_373, %dma_wait3A_374] : memref<96x1024xf32, #tpu.memory_space<vmem>> -> memref<64x1024xf32, #tpu.memory_space<vmem>>
      %dma_wait3A_376 = arith.constant 0 : i32
      %dma_wait3A_377 = tpu.memref_slice %arg5[%dma_wait3A_372, %mul3A_2, %dma_wait3A_376] : memref<32x2048x1024xf32, #tpu.memory_space<hbm>> -> memref<1x64x1024xf32, #tpu.memory_space<hbm>>
      %dma_wait3A_378 = tpu.memref_squeeze %dma_wait3A_377 : memref<1x64x1024xf32, #tpu.memory_space<hbm>> -> memref<64x1024xf32, #tpu.memory_space<hbm>>
      %dma_wait3A_379 = arith.constant 0 : i32
      %dma_wait3A_380 = tpu.memref_slice %arg5[%dma_wait3A_372, %mul3A_2, %dma_wait3A_379] : memref<32x2048x1024xf32, #tpu.memory_space<hbm>> -> memref<1x64x1024xf32, #tpu.memory_space<hbm>>
      %dma_wait3A_381 = tpu.memref_squeeze %dma_wait3A_380 : memref<1x64x1024xf32, #tpu.memory_space<hbm>> -> memref<64x1024xf32, #tpu.memory_space<hbm>>
      %dma_wait3A_382 = arith.constant 0 : i32
      %dma_wait3A_383 = arith.constant 0 : i32
      %dma_wait3A_384 = tpu.memref_slice %arg6[%dma_wait3A_382, %dma_wait3A_383] : memref<96x1024xf32, #tpu.memory_space<vmem>> -> memref<64x1024xf32, #tpu.memory_space<vmem>>
      tpu.wait_dma2 semaphore(%arg9 : memref<!tpu.dma_semaphore, #tpu.memory_space<semaphore_mem>>) src(%dma_wait3A_384 : memref<64x1024xf32, #tpu.memory_space<vmem>>) dst(%dma_wait3A_381 : memref<64x1024xf32, #tpu.memory_space<hbm>>)
    } else {
    }
    %gt3A = arith.constant 0 : i32
    %gt3A_132 = arith.cmpi sgt, %sub3A_114, %gt3A : i32
    %jit3A_133 = arith.constant 16 : i32
    %jit3A_134 = arith.constant 0 : i32
    %select_n3A_135 = arith.select %gt3A_132, %jit3A_133, %jit3A_134 : i32
    %add3A_136 = arith.addi %mul3A_113, %select_n3A_135 : i32
    %sub3A_137 = arith.constant 64 : i32
    %sub3A_138 = arith.subi %sub3A_137, %add3A_136 : i32
    %ge3A = arith.constant 32 : i32
    %ge3A_139 = arith.cmpi sge, %sub3A_138, %ge3A : i32
    %convert_element_type3A_140 = arith.extui %ge3A_139 : i1 to i32
    %cond3A_141 = arith.constant 0 : i32
    %cond3A_142 = arith.cmpi ne, %convert_element_type3A_140, %cond3A_141 : i32
    scf.if %cond3A_142 {
      %add3A_372 = arith.addi %mul3A_2, %add3A_136 : i32
      %dma_wait3A_373 = arith.constant 29 : i32
      %dma_wait3A_374 = arith.constant 64 : i32
      %dma_wait3A_375 = arith.constant 0 : i32
      %dma_wait3A_376 = tpu.memref_slice %arg6[%dma_wait3A_374, %dma_wait3A_375] : memref<96x1024xf32, #tpu.memory_space<vmem>> -> memref<32x1024xf32, #tpu.memory_space<vmem>>
      %dma_wait3A_377 = arith.constant 0 : i32
      %dma_wait3A_378 = tpu.memref_slice %arg5[%dma_wait3A_373, %add3A_372, %dma_wait3A_377] : memref<32x2048x1024xf32, #tpu.memory_space<hbm>> -> memref<1x32x1024xf32, #tpu.memory_space<hbm>>
      %dma_wait3A_379 = tpu.memref_squeeze %dma_wait3A_378 : memref<1x32x1024xf32, #tpu.memory_space<hbm>> -> memref<32x1024xf32, #tpu.memory_space<hbm>>
      %dma_wait3A_380 = arith.constant 0 : i32
      %dma_wait3A_381 = tpu.memref_slice %arg5[%dma_wait3A_373, %add3A_372, %dma_wait3A_380] : memref<32x2048x1024xf32, #tpu.memory_space<hbm>> -> memref<1x32x1024xf32, #tpu.memory_space<hbm>>
      %dma_wait3A_382 = tpu.memref_squeeze %dma_wait3A_381 : memref<1x32x1024xf32, #tpu.memory_space<hbm>> -> memref<32x1024xf32, #tpu.memory_space<hbm>>
      %dma_wait3A_383 = arith.constant 64 : i32
      %dma_wait3A_384 = arith.constant 0 : i32
      %dma_wait3A_385 = tpu.memref_slice %arg6[%dma_wait3A_383, %dma_wait3A_384] : memref<96x1024xf32, #tpu.memory_space<vmem>> -> memref<32x1024xf32, #tpu.memory_space<vmem>>
      tpu.wait_dma2 semaphore(%arg9 : memref<!tpu.dma_semaphore, #tpu.memory_space<semaphore_mem>>) src(%dma_wait3A_385 : memref<32x1024xf32, #tpu.memory_space<vmem>>) dst(%dma_wait3A_382 : memref<32x1024xf32, #tpu.memory_space<hbm>>)
    } else {
    }
    %eq3A_143 = arith.constant 64 : i32
    %eq3A_144 = arith.cmpi eq, %sub3A_138, %eq3A_143 : i32
    %convert_element_type3A_145 = arith.extui %eq3A_144 : i1 to i32
    %cond3A_146 = arith.constant 0 : i32
    %cond3A_147 = arith.cmpi ne, %convert_element_type3A_145, %cond3A_146 : i32
    scf.if %cond3A_147 {
      %add3A_372 = arith.addi %mul3A_2, %add3A_136 : i32
      %add3A_373 = arith.constant 32 : i32
      %add3A_374 = arith.addi %add3A_372, %add3A_373 : i32
      %dma_wait3A_375 = arith.constant 29 : i32
      %dma_wait3A_376 = arith.constant 64 : i32
      %dma_wait3A_377 = arith.constant 0 : i32
      %dma_wait3A_378 = tpu.memref_slice %arg6[%dma_wait3A_376, %dma_wait3A_377] : memref<96x1024xf32, #tpu.memory_space<vmem>> -> memref<32x1024xf32, #tpu.memory_space<vmem>>
      %dma_wait3A_379 = arith.constant 0 : i32
      %dma_wait3A_380 = tpu.memref_slice %arg5[%dma_wait3A_375, %add3A_374, %dma_wait3A_379] : memref<32x2048x1024xf32, #tpu.memory_space<hbm>> -> memref<1x32x1024xf32, #tpu.memory_space<hbm>>
      %dma_wait3A_381 = tpu.memref_squeeze %dma_wait3A_380 : memref<1x32x1024xf32, #tpu.memory_space<hbm>> -> memref<32x1024xf32, #tpu.memory_space<hbm>>
      %dma_wait3A_382 = arith.constant 0 : i32
      %dma_wait3A_383 = tpu.memref_slice %arg5[%dma_wait3A_375, %add3A_374, %dma_wait3A_382] : memref<32x2048x1024xf32, #tpu.memory_space<hbm>> -> memref<1x32x1024xf32, #tpu.memory_space<hbm>>
      %dma_wait3A_384 = tpu.memref_squeeze %dma_wait3A_383 : memref<1x32x1024xf32, #tpu.memory_space<hbm>> -> memref<32x1024xf32, #tpu.memory_space<hbm>>
      %dma_wait3A_385 = arith.constant 64 : i32
      %dma_wait3A_386 = arith.constant 0 : i32
      %dma_wait3A_387 = tpu.memref_slice %arg6[%dma_wait3A_385, %dma_wait3A_386] : memref<96x1024xf32, #tpu.memory_space<vmem>> -> memref<32x1024xf32, #tpu.memory_space<vmem>>
      tpu.wait_dma2 semaphore(%arg9 : memref<!tpu.dma_semaphore, #tpu.memory_space<semaphore_mem>>) src(%dma_wait3A_387 : memref<32x1024xf32, #tpu.memory_space<vmem>>) dst(%dma_wait3A_384 : memref<32x1024xf32, #tpu.memory_space<hbm>>)
    } else {
    }
    %jit3A_148 = arith.constant 32 : i32
    %eq3A_149 = arith.constant 0 : i32
    %eq3A_150 = arith.cmpi eq, %jit3A_148, %eq3A_149 : i32
    %jit3A_151 = arith.constant 1 : i32
    %select_n3A_152 = arith.select %eq3A_150, %jit3A_151, %jit3A_148 : i32
    %rem3A_153 = arith.remsi %sub3A_138, %select_n3A_152 : i32
    %ne3A_154 = arith.constant 0 : i32
    %ne3A_155 = arith.cmpi ne, %rem3A_153, %ne3A_154 : i32
    %lt3A = arith.constant 0 : i32
    %lt3A_156 = arith.cmpi slt, %rem3A_153, %lt3A : i32
    %lt3A_157 = arith.constant 0 : i32
    %lt3A_158 = arith.cmpi slt, %select_n3A_152, %lt3A_157 : i32
    %ne3A_159 = arith.xori %lt3A_156, %lt3A_158 : i1
    %and3A_160 = arith.andi %ne3A_159, %ne3A_155 : i1
    %add3A_161 = arith.addi %rem3A_153, %select_n3A_152 : i32
    %select_n3A_162 = arith.select %and3A_160, %add3A_161, %rem3A_153 : i32
    %eq3A_163 = arith.constant 16 : i32
    %eq3A_164 = arith.cmpi eq, %select_n3A_162, %eq3A_163 : i32
    %convert_element_type3A_165 = arith.extui %eq3A_164 : i1 to i32
    %cond3A_166 = arith.constant 0 : i32
    %cond3A_167 = arith.cmpi ne, %convert_element_type3A_165, %cond3A_166 : i32
    scf.if %cond3A_167 {
      %add3A_372 = arith.addi %mul3A_2, %add3A_136 : i32
      %add3A_373 = arith.addi %add3A_372, %sub3A_138 : i32
      %sub3A_374 = arith.constant 16 : i32
      %sub3A_375 = arith.subi %add3A_373, %sub3A_374 : i32
      %dma_wait3A_376 = arith.constant 29 : i32
      %dma_wait3A_377 = arith.constant 64 : i32
      %dma_wait3A_378 = arith.constant 0 : i32
      %dma_wait3A_379 = tpu.memref_slice %arg6[%dma_wait3A_377, %dma_wait3A_378] : memref<96x1024xf32, #tpu.memory_space<vmem>> -> memref<16x1024xf32, #tpu.memory_space<vmem>>
      %dma_wait3A_380 = arith.constant 0 : i32
      %dma_wait3A_381 = tpu.memref_slice %arg5[%dma_wait3A_376, %sub3A_375, %dma_wait3A_380] : memref<32x2048x1024xf32, #tpu.memory_space<hbm>> -> memref<1x16x1024xf32, #tpu.memory_space<hbm>>
      %dma_wait3A_382 = tpu.memref_squeeze %dma_wait3A_381 : memref<1x16x1024xf32, #tpu.memory_space<hbm>> -> memref<16x1024xf32, #tpu.memory_space<hbm>>
      %dma_wait3A_383 = arith.constant 0 : i32
      %dma_wait3A_384 = tpu.memref_slice %arg5[%dma_wait3A_376, %sub3A_375, %dma_wait3A_383] : memref<32x2048x1024xf32, #tpu.memory_space<hbm>> -> memref<1x16x1024xf32, #tpu.memory_space<hbm>>
      %dma_wait3A_385 = tpu.memref_squeeze %dma_wait3A_384 : memref<1x16x1024xf32, #tpu.memory_space<hbm>> -> memref<16x1024xf32, #tpu.memory_space<hbm>>
      %dma_wait3A_386 = arith.constant 64 : i32
      %dma_wait3A_387 = arith.constant 0 : i32
      %dma_wait3A_388 = tpu.memref_slice %arg6[%dma_wait3A_386, %dma_wait3A_387] : memref<96x1024xf32, #tpu.memory_space<vmem>> -> memref<16x1024xf32, #tpu.memory_space<vmem>>
      tpu.wait_dma2 semaphore(%arg9 : memref<!tpu.dma_semaphore, #tpu.memory_space<semaphore_mem>>) src(%dma_wait3A_388 : memref<16x1024xf32, #tpu.memory_space<vmem>>) dst(%dma_wait3A_385 : memref<16x1024xf32, #tpu.memory_space<hbm>>)
    } else {
    }
    %jit3A_168 = arith.constant 16 : i32
    %div3A_169 = arith.divsi %scan3A_94#1, %jit3A_168 : i32
    %sign3A_170 = arith.constant 0 : i32
    %sign3A_171 = arith.cmpi sgt, %scan3A_94#1, %sign3A_170 : i32
    %sign3A_172 = arith.extui %sign3A_171 : i1 to i32
    %sign3A_173 = arith.constant 0 : i32
    %sign3A_174 = arith.cmpi slt, %scan3A_94#1, %sign3A_173 : i32
    %sign3A_175 = arith.extui %sign3A_174 : i1 to i32
    %sign3A_176 = arith.subi %sign3A_172, %sign3A_175 : i32
    %sign3A_177 = arith.constant 0 : i32
    %sign3A_178 = arith.cmpi sgt, %jit3A_168, %sign3A_177 : i32
    %sign3A_179 = arith.extui %sign3A_178 : i1 to i32
    %sign3A_180 = arith.constant 0 : i32
    %sign3A_181 = arith.cmpi slt, %jit3A_168, %sign3A_180 : i32
    %sign3A_182 = arith.extui %sign3A_181 : i1 to i32
    %sign3A_183 = arith.subi %sign3A_179, %sign3A_182 : i32
    %ne3A_184 = arith.cmpi ne, %sign3A_176, %sign3A_183 : i32
    %rem3A_185 = arith.remsi %scan3A_94#1, %jit3A_168 : i32
    %ne3A_186 = arith.constant 0 : i32
    %ne3A_187 = arith.cmpi ne, %rem3A_185, %ne3A_186 : i32
    %and3A_188 = arith.andi %ne3A_184, %ne3A_187 : i1
    %sub3A_189 = arith.constant 1 : i32
    %sub3A_190 = arith.subi %div3A_169, %sub3A_189 : i32
    %select_n3A_191 = arith.select %and3A_188, %sub3A_190, %div3A_169 : i32
    %mul3A_192 = arith.constant 16 : i32
    %mul3A_193 = arith.muli %select_n3A_191, %mul3A_192 : i32
    %sub3A_194 = arith.subi %scan3A_94#1, %mul3A_193 : i32
    %eq3A_195 = arith.constant 16 : i32
    %eq3A_196 = arith.cmpi eq, %mul3A_193, %eq3A_195 : i32
    %convert_element_type3A_197 = arith.extui %eq3A_196 : i1 to i32
    %cond3A_198 = arith.constant 0 : i32
    %cond3A_199 = arith.cmpi ne, %convert_element_type3A_197, %cond3A_198 : i32
    scf.if %cond3A_199 {
      %dma_wait3A_372 = arith.constant 30 : i32
      %dma_wait3A_373 = arith.constant 0 : i32
      %dma_wait3A_374 = arith.constant 0 : i32
      %dma_wait3A_375 = tpu.memref_slice %arg6[%dma_wait3A_373, %dma_wait3A_374] : memref<96x1024xf32, #tpu.memory_space<vmem>> -> memref<16x1024xf32, #tpu.memory_space<vmem>>
      %dma_wait3A_376 = arith.constant 0 : i32
      %dma_wait3A_377 = tpu.memref_slice %arg5[%dma_wait3A_372, %mul3A_2, %dma_wait3A_376] : memref<32x2048x1024xf32, #tpu.memory_space<hbm>> -> memref<1x16x1024xf32, #tpu.memory_space<hbm>>
      %dma_wait3A_378 = tpu.memref_squeeze %dma_wait3A_377 : memref<1x16x1024xf32, #tpu.memory_space<hbm>> -> memref<16x1024xf32, #tpu.memory_space<hbm>>
      %dma_wait3A_379 = arith.constant 0 : i32
      %dma_wait3A_380 = tpu.memref_slice %arg5[%dma_wait3A_372, %mul3A_2, %dma_wait3A_379] : memref<32x2048x1024xf32, #tpu.memory_space<hbm>> -> memref<1x16x1024xf32, #tpu.memory_space<hbm>>
      %dma_wait3A_381 = tpu.memref_squeeze %dma_wait3A_380 : memref<1x16x1024xf32, #tpu.memory_space<hbm>> -> memref<16x1024xf32, #tpu.memory_space<hbm>>
      %dma_wait3A_382 = arith.constant 0 : i32
      %dma_wait3A_383 = arith.constant 0 : i32
      %dma_wait3A_384 = tpu.memref_slice %arg6[%dma_wait3A_382, %dma_wait3A_383] : memref<96x1024xf32, #tpu.memory_space<vmem>> -> memref<16x1024xf32, #tpu.memory_space<vmem>>
      tpu.wait_dma2 semaphore(%arg9 : memref<!tpu.dma_semaphore, #tpu.memory_space<semaphore_mem>>) src(%dma_wait3A_384 : memref<16x1024xf32, #tpu.memory_space<vmem>>) dst(%dma_wait3A_381 : memref<16x1024xf32, #tpu.memory_space<hbm>>)
    } else {
    }
    %eq3A_200 = arith.constant 32 : i32
    %eq3A_201 = arith.cmpi eq, %mul3A_193, %eq3A_200 : i32
    %convert_element_type3A_202 = arith.extui %eq3A_201 : i1 to i32
    %cond3A_203 = arith.constant 0 : i32
    %cond3A_204 = arith.cmpi ne, %convert_element_type3A_202, %cond3A_203 : i32
    scf.if %cond3A_204 {
      %dma_wait3A_372 = arith.constant 30 : i32
      %dma_wait3A_373 = arith.constant 0 : i32
      %dma_wait3A_374 = arith.constant 0 : i32
      %dma_wait3A_375 = tpu.memref_slice %arg6[%dma_wait3A_373, %dma_wait3A_374] : memref<96x1024xf32, #tpu.memory_space<vmem>> -> memref<32x1024xf32, #tpu.memory_space<vmem>>
      %dma_wait3A_376 = arith.constant 0 : i32
      %dma_wait3A_377 = tpu.memref_slice %arg5[%dma_wait3A_372, %mul3A_2, %dma_wait3A_376] : memref<32x2048x1024xf32, #tpu.memory_space<hbm>> -> memref<1x32x1024xf32, #tpu.memory_space<hbm>>
      %dma_wait3A_378 = tpu.memref_squeeze %dma_wait3A_377 : memref<1x32x1024xf32, #tpu.memory_space<hbm>> -> memref<32x1024xf32, #tpu.memory_space<hbm>>
      %dma_wait3A_379 = arith.constant 0 : i32
      %dma_wait3A_380 = tpu.memref_slice %arg5[%dma_wait3A_372, %mul3A_2, %dma_wait3A_379] : memref<32x2048x1024xf32, #tpu.memory_space<hbm>> -> memref<1x32x1024xf32, #tpu.memory_space<hbm>>
      %dma_wait3A_381 = tpu.memref_squeeze %dma_wait3A_380 : memref<1x32x1024xf32, #tpu.memory_space<hbm>> -> memref<32x1024xf32, #tpu.memory_space<hbm>>
      %dma_wait3A_382 = arith.constant 0 : i32
      %dma_wait3A_383 = arith.constant 0 : i32
      %dma_wait3A_384 = tpu.memref_slice %arg6[%dma_wait3A_382, %dma_wait3A_383] : memref<96x1024xf32, #tpu.memory_space<vmem>> -> memref<32x1024xf32, #tpu.memory_space<vmem>>
      tpu.wait_dma2 semaphore(%arg9 : memref<!tpu.dma_semaphore, #tpu.memory_space<semaphore_mem>>) src(%dma_wait3A_384 : memref<32x1024xf32, #tpu.memory_space<vmem>>) dst(%dma_wait3A_381 : memref<32x1024xf32, #tpu.memory_space<hbm>>)
    } else {
    }
    %eq3A_205 = arith.constant 48 : i32
    %eq3A_206 = arith.cmpi eq, %mul3A_193, %eq3A_205 : i32
    %convert_element_type3A_207 = arith.extui %eq3A_206 : i1 to i32
    %cond3A_208 = arith.constant 0 : i32
    %cond3A_209 = arith.cmpi ne, %convert_element_type3A_207, %cond3A_208 : i32
    scf.if %cond3A_209 {
      %dma_wait3A_372 = arith.constant 30 : i32
      %dma_wait3A_373 = arith.constant 0 : i32
      %dma_wait3A_374 = arith.constant 0 : i32
      %dma_wait3A_375 = tpu.memref_slice %arg6[%dma_wait3A_373, %dma_wait3A_374] : memref<96x1024xf32, #tpu.memory_space<vmem>> -> memref<48x1024xf32, #tpu.memory_space<vmem>>
      %dma_wait3A_376 = arith.constant 0 : i32
      %dma_wait3A_377 = tpu.memref_slice %arg5[%dma_wait3A_372, %mul3A_2, %dma_wait3A_376] : memref<32x2048x1024xf32, #tpu.memory_space<hbm>> -> memref<1x48x1024xf32, #tpu.memory_space<hbm>>
      %dma_wait3A_378 = tpu.memref_squeeze %dma_wait3A_377 : memref<1x48x1024xf32, #tpu.memory_space<hbm>> -> memref<48x1024xf32, #tpu.memory_space<hbm>>
      %dma_wait3A_379 = arith.constant 0 : i32
      %dma_wait3A_380 = tpu.memref_slice %arg5[%dma_wait3A_372, %mul3A_2, %dma_wait3A_379] : memref<32x2048x1024xf32, #tpu.memory_space<hbm>> -> memref<1x48x1024xf32, #tpu.memory_space<hbm>>
      %dma_wait3A_381 = tpu.memref_squeeze %dma_wait3A_380 : memref<1x48x1024xf32, #tpu.memory_space<hbm>> -> memref<48x1024xf32, #tpu.memory_space<hbm>>
      %dma_wait3A_382 = arith.constant 0 : i32
      %dma_wait3A_383 = arith.constant 0 : i32
      %dma_wait3A_384 = tpu.memref_slice %arg6[%dma_wait3A_382, %dma_wait3A_383] : memref<96x1024xf32, #tpu.memory_space<vmem>> -> memref<48x1024xf32, #tpu.memory_space<vmem>>
      tpu.wait_dma2 semaphore(%arg9 : memref<!tpu.dma_semaphore, #tpu.memory_space<semaphore_mem>>) src(%dma_wait3A_384 : memref<48x1024xf32, #tpu.memory_space<vmem>>) dst(%dma_wait3A_381 : memref<48x1024xf32, #tpu.memory_space<hbm>>)
    } else {
    }
    %eq3A_210 = arith.constant 64 : i32
    %eq3A_211 = arith.cmpi eq, %mul3A_193, %eq3A_210 : i32
    %convert_element_type3A_212 = arith.extui %eq3A_211 : i1 to i32
    %cond3A_213 = arith.constant 0 : i32
    %cond3A_214 = arith.cmpi ne, %convert_element_type3A_212, %cond3A_213 : i32
    scf.if %cond3A_214 {
      %dma_wait3A_372 = arith.constant 30 : i32
      %dma_wait3A_373 = arith.constant 0 : i32
      %dma_wait3A_374 = arith.constant 0 : i32
      %dma_wait3A_375 = tpu.memref_slice %arg6[%dma_wait3A_373, %dma_wait3A_374] : memref<96x1024xf32, #tpu.memory_space<vmem>> -> memref<64x1024xf32, #tpu.memory_space<vmem>>
      %dma_wait3A_376 = arith.constant 0 : i32
      %dma_wait3A_377 = tpu.memref_slice %arg5[%dma_wait3A_372, %mul3A_2, %dma_wait3A_376] : memref<32x2048x1024xf32, #tpu.memory_space<hbm>> -> memref<1x64x1024xf32, #tpu.memory_space<hbm>>
      %dma_wait3A_378 = tpu.memref_squeeze %dma_wait3A_377 : memref<1x64x1024xf32, #tpu.memory_space<hbm>> -> memref<64x1024xf32, #tpu.memory_space<hbm>>
      %dma_wait3A_379 = arith.constant 0 : i32
      %dma_wait3A_380 = tpu.memref_slice %arg5[%dma_wait3A_372, %mul3A_2, %dma_wait3A_379] : memref<32x2048x1024xf32, #tpu.memory_space<hbm>> -> memref<1x64x1024xf32, #tpu.memory_space<hbm>>
      %dma_wait3A_381 = tpu.memref_squeeze %dma_wait3A_380 : memref<1x64x1024xf32, #tpu.memory_space<hbm>> -> memref<64x1024xf32, #tpu.memory_space<hbm>>
      %dma_wait3A_382 = arith.constant 0 : i32
      %dma_wait3A_383 = arith.constant 0 : i32
      %dma_wait3A_384 = tpu.memref_slice %arg6[%dma_wait3A_382, %dma_wait3A_383] : memref<96x1024xf32, #tpu.memory_space<vmem>> -> memref<64x1024xf32, #tpu.memory_space<vmem>>
      tpu.wait_dma2 semaphore(%arg9 : memref<!tpu.dma_semaphore, #tpu.memory_space<semaphore_mem>>) src(%dma_wait3A_384 : memref<64x1024xf32, #tpu.memory_space<vmem>>) dst(%dma_wait3A_381 : memref<64x1024xf32, #tpu.memory_space<hbm>>)
    } else {
    }
    %gt3A_215 = arith.constant 0 : i32
    %gt3A_216 = arith.cmpi sgt, %sub3A_194, %gt3A_215 : i32
    %jit3A_217 = arith.constant 16 : i32
    %jit3A_218 = arith.constant 0 : i32
    %select_n3A_219 = arith.select %gt3A_216, %jit3A_217, %jit3A_218 : i32
    %add3A_220 = arith.addi %mul3A_193, %select_n3A_219 : i32
    %sub3A_221 = arith.constant 64 : i32
    %sub3A_222 = arith.subi %sub3A_221, %add3A_220 : i32
    %ge3A_223 = arith.constant 32 : i32
    %ge3A_224 = arith.cmpi sge, %sub3A_222, %ge3A_223 : i32
    %convert_element_type3A_225 = arith.extui %ge3A_224 : i1 to i32
    %cond3A_226 = arith.constant 0 : i32
    %cond3A_227 = arith.cmpi ne, %convert_element_type3A_225, %cond3A_226 : i32
    scf.if %cond3A_227 {
      %add3A_372 = arith.addi %mul3A_2, %add3A_220 : i32
      %dma_wait3A_373 = arith.constant 30 : i32
      %dma_wait3A_374 = arith.constant 64 : i32
      %dma_wait3A_375 = arith.constant 0 : i32
      %dma_wait3A_376 = tpu.memref_slice %arg6[%dma_wait3A_374, %dma_wait3A_375] : memref<96x1024xf32, #tpu.memory_space<vmem>> -> memref<32x1024xf32, #tpu.memory_space<vmem>>
      %dma_wait3A_377 = arith.constant 0 : i32
      %dma_wait3A_378 = tpu.memref_slice %arg5[%dma_wait3A_373, %add3A_372, %dma_wait3A_377] : memref<32x2048x1024xf32, #tpu.memory_space<hbm>> -> memref<1x32x1024xf32, #tpu.memory_space<hbm>>
      %dma_wait3A_379 = tpu.memref_squeeze %dma_wait3A_378 : memref<1x32x1024xf32, #tpu.memory_space<hbm>> -> memref<32x1024xf32, #tpu.memory_space<hbm>>
      %dma_wait3A_380 = arith.constant 0 : i32
      %dma_wait3A_381 = tpu.memref_slice %arg5[%dma_wait3A_373, %add3A_372, %dma_wait3A_380] : memref<32x2048x1024xf32, #tpu.memory_space<hbm>> -> memref<1x32x1024xf32, #tpu.memory_space<hbm>>
      %dma_wait3A_382 = tpu.memref_squeeze %dma_wait3A_381 : memref<1x32x1024xf32, #tpu.memory_space<hbm>> -> memref<32x1024xf32, #tpu.memory_space<hbm>>
      %dma_wait3A_383 = arith.constant 64 : i32
      %dma_wait3A_384 = arith.constant 0 : i32
      %dma_wait3A_385 = tpu.memref_slice %arg6[%dma_wait3A_383, %dma_wait3A_384] : memref<96x1024xf32, #tpu.memory_space<vmem>> -> memref<32x1024xf32, #tpu.memory_space<vmem>>
      tpu.wait_dma2 semaphore(%arg9 : memref<!tpu.dma_semaphore, #tpu.memory_space<semaphore_mem>>) src(%dma_wait3A_385 : memref<32x1024xf32, #tpu.memory_space<vmem>>) dst(%dma_wait3A_382 : memref<32x1024xf32, #tpu.memory_space<hbm>>)
    } else {
    }
    %eq3A_228 = arith.constant 64 : i32
    %eq3A_229 = arith.cmpi eq, %sub3A_222, %eq3A_228 : i32
    %convert_element_type3A_230 = arith.extui %eq3A_229 : i1 to i32
    %cond3A_231 = arith.constant 0 : i32
    %cond3A_232 = arith.cmpi ne, %convert_element_type3A_230, %cond3A_231 : i32
    scf.if %cond3A_232 {
      %add3A_372 = arith.addi %mul3A_2, %add3A_220 : i32
      %add3A_373 = arith.constant 32 : i32
      %add3A_374 = arith.addi %add3A_372, %add3A_373 : i32
      %dma_wait3A_375 = arith.constant 30 : i32
      %dma_wait3A_376 = arith.constant 64 : i32
      %dma_wait3A_377 = arith.constant 0 : i32
      %dma_wait3A_378 = tpu.memref_slice %arg6[%dma_wait3A_376, %dma_wait3A_377] : memref<96x1024xf32, #tpu.memory_space<vmem>> -> memref<32x1024xf32, #tpu.memory_space<vmem>>
      %dma_wait3A_379 = arith.constant 0 : i32
      %dma_wait3A_380 = tpu.memref_slice %arg5[%dma_wait3A_375, %add3A_374, %dma_wait3A_379] : memref<32x2048x1024xf32, #tpu.memory_space<hbm>> -> memref<1x32x1024xf32, #tpu.memory_space<hbm>>
      %dma_wait3A_381 = tpu.memref_squeeze %dma_wait3A_380 : memref<1x32x1024xf32, #tpu.memory_space<hbm>> -> memref<32x1024xf32, #tpu.memory_space<hbm>>
      %dma_wait3A_382 = arith.constant 0 : i32
      %dma_wait3A_383 = tpu.memref_slice %arg5[%dma_wait3A_375, %add3A_374, %dma_wait3A_382] : memref<32x2048x1024xf32, #tpu.memory_space<hbm>> -> memref<1x32x1024xf32, #tpu.memory_space<hbm>>
      %dma_wait3A_384 = tpu.memref_squeeze %dma_wait3A_383 : memref<1x32x1024xf32, #tpu.memory_space<hbm>> -> memref<32x1024xf32, #tpu.memory_space<hbm>>
      %dma_wait3A_385 = arith.constant 64 : i32
      %dma_wait3A_386 = arith.constant 0 : i32
      %dma_wait3A_387 = tpu.memref_slice %arg6[%dma_wait3A_385, %dma_wait3A_386] : memref<96x1024xf32, #tpu.memory_space<vmem>> -> memref<32x1024xf32, #tpu.memory_space<vmem>>
      tpu.wait_dma2 semaphore(%arg9 : memref<!tpu.dma_semaphore, #tpu.memory_space<semaphore_mem>>) src(%dma_wait3A_387 : memref<32x1024xf32, #tpu.memory_space<vmem>>) dst(%dma_wait3A_384 : memref<32x1024xf32, #tpu.memory_space<hbm>>)
    } else {
    }
    %jit3A_233 = arith.constant 32 : i32
    %eq3A_234 = arith.constant 0 : i32
    %eq3A_235 = arith.cmpi eq, %jit3A_233, %eq3A_234 : i32
    %jit3A_236 = arith.constant 1 : i32
    %select_n3A_237 = arith.select %eq3A_235, %jit3A_236, %jit3A_233 : i32
    %rem3A_238 = arith.remsi %sub3A_222, %select_n3A_237 : i32
    %ne3A_239 = arith.constant 0 : i32
    %ne3A_240 = arith.cmpi ne, %rem3A_238, %ne3A_239 : i32
    %lt3A_241 = arith.constant 0 : i32
    %lt3A_242 = arith.cmpi slt, %rem3A_238, %lt3A_241 : i32
    %lt3A_243 = arith.constant 0 : i32
    %lt3A_244 = arith.cmpi slt, %select_n3A_237, %lt3A_243 : i32
    %ne3A_245 = arith.xori %lt3A_242, %lt3A_244 : i1
    %and3A_246 = arith.andi %ne3A_245, %ne3A_240 : i1
    %add3A_247 = arith.addi %rem3A_238, %select_n3A_237 : i32
    %select_n3A_248 = arith.select %and3A_246, %add3A_247, %rem3A_238 : i32
    %eq3A_249 = arith.constant 16 : i32
    %eq3A_250 = arith.cmpi eq, %select_n3A_248, %eq3A_249 : i32
    %convert_element_type3A_251 = arith.extui %eq3A_250 : i1 to i32
    %cond3A_252 = arith.constant 0 : i32
    %cond3A_253 = arith.cmpi ne, %convert_element_type3A_251, %cond3A_252 : i32
    scf.if %cond3A_253 {
      %add3A_372 = arith.addi %mul3A_2, %add3A_220 : i32
      %add3A_373 = arith.addi %add3A_372, %sub3A_222 : i32
      %sub3A_374 = arith.constant 16 : i32
      %sub3A_375 = arith.subi %add3A_373, %sub3A_374 : i32
      %dma_wait3A_376 = arith.constant 30 : i32
      %dma_wait3A_377 = arith.constant 64 : i32
      %dma_wait3A_378 = arith.constant 0 : i32
      %dma_wait3A_379 = tpu.memref_slice %arg6[%dma_wait3A_377, %dma_wait3A_378] : memref<96x1024xf32, #tpu.memory_space<vmem>> -> memref<16x1024xf32, #tpu.memory_space<vmem>>
      %dma_wait3A_380 = arith.constant 0 : i32
      %dma_wait3A_381 = tpu.memref_slice %arg5[%dma_wait3A_376, %sub3A_375, %dma_wait3A_380] : memref<32x2048x1024xf32, #tpu.memory_space<hbm>> -> memref<1x16x1024xf32, #tpu.memory_space<hbm>>
      %dma_wait3A_382 = tpu.memref_squeeze %dma_wait3A_381 : memref<1x16x1024xf32, #tpu.memory_space<hbm>> -> memref<16x1024xf32, #tpu.memory_space<hbm>>
      %dma_wait3A_383 = arith.constant 0 : i32
      %dma_wait3A_384 = tpu.memref_slice %arg5[%dma_wait3A_376, %sub3A_375, %dma_wait3A_383] : memref<32x2048x1024xf32, #tpu.memory_space<hbm>> -> memref<1x16x1024xf32, #tpu.memory_space<hbm>>
      %dma_wait3A_385 = tpu.memref_squeeze %dma_wait3A_384 : memref<1x16x1024xf32, #tpu.memory_space<hbm>> -> memref<16x1024xf32, #tpu.memory_space<hbm>>
      %dma_wait3A_386 = arith.constant 64 : i32
      %dma_wait3A_387 = arith.constant 0 : i32
      %dma_wait3A_388 = tpu.memref_slice %arg6[%dma_wait3A_386, %dma_wait3A_387] : memref<96x1024xf32, #tpu.memory_space<vmem>> -> memref<16x1024xf32, #tpu.memory_space<vmem>>
      tpu.wait_dma2 semaphore(%arg9 : memref<!tpu.dma_semaphore, #tpu.memory_space<semaphore_mem>>) src(%dma_wait3A_388 : memref<16x1024xf32, #tpu.memory_space<vmem>>) dst(%dma_wait3A_385 : memref<16x1024xf32, #tpu.memory_space<hbm>>)
    } else {
    }
    %jit3A_254 = arith.constant 16 : i32
    %div3A_255 = arith.divsi %scan3A_94#0, %jit3A_254 : i32
    %sign3A_256 = arith.constant 0 : i32
    %sign3A_257 = arith.cmpi sgt, %scan3A_94#0, %sign3A_256 : i32
    %sign3A_258 = arith.extui %sign3A_257 : i1 to i32
    %sign3A_259 = arith.constant 0 : i32
    %sign3A_260 = arith.cmpi slt, %scan3A_94#0, %sign3A_259 : i32
    %sign3A_261 = arith.extui %sign3A_260 : i1 to i32
    %sign3A_262 = arith.subi %sign3A_258, %sign3A_261 : i32
    %sign3A_263 = arith.constant 0 : i32
    %sign3A_264 = arith.cmpi sgt, %jit3A_254, %sign3A_263 : i32
    %sign3A_265 = arith.extui %sign3A_264 : i1 to i32
    %sign3A_266 = arith.constant 0 : i32
    %sign3A_267 = arith.cmpi slt, %jit3A_254, %sign3A_266 : i32
    %sign3A_268 = arith.extui %sign3A_267 : i1 to i32
    %sign3A_269 = arith.subi %sign3A_265, %sign3A_268 : i32
    %ne3A_270 = arith.cmpi ne, %sign3A_262, %sign3A_269 : i32
    %rem3A_271 = arith.remsi %scan3A_94#0, %jit3A_254 : i32
    %ne3A_272 = arith.constant 0 : i32
    %ne3A_273 = arith.cmpi ne, %rem3A_271, %ne3A_272 : i32
    %and3A_274 = arith.andi %ne3A_270, %ne3A_273 : i1
    %sub3A_275 = arith.constant 1 : i32
    %sub3A_276 = arith.subi %div3A_255, %sub3A_275 : i32
    %select_n3A_277 = arith.select %and3A_274, %sub3A_276, %div3A_255 : i32
    %mul3A_278 = arith.constant 16 : i32
    %mul3A_279 = arith.muli %select_n3A_277, %mul3A_278 : i32
    %sub3A_280 = arith.subi %scan3A_94#0, %mul3A_279 : i32
    %eq3A_281 = arith.constant 16 : i32
    %eq3A_282 = arith.cmpi eq, %mul3A_279, %eq3A_281 : i32
    %convert_element_type3A_283 = arith.extui %eq3A_282 : i1 to i32
    %cond3A_284 = arith.constant 0 : i32
    %cond3A_285 = arith.cmpi ne, %convert_element_type3A_283, %cond3A_284 : i32
    scf.if %cond3A_285 {
      %dma_wait3A_372 = arith.constant 31 : i32
      %dma_wait3A_373 = arith.constant 0 : i32
      %dma_wait3A_374 = arith.constant 0 : i32
      %dma_wait3A_375 = tpu.memref_slice %arg6[%dma_wait3A_373, %dma_wait3A_374] : memref<96x1024xf32, #tpu.memory_space<vmem>> -> memref<16x1024xf32, #tpu.memory_space<vmem>>
      %dma_wait3A_376 = arith.constant 0 : i32
      %dma_wait3A_377 = tpu.memref_slice %arg5[%dma_wait3A_372, %mul3A_2, %dma_wait3A_376] : memref<32x2048x1024xf32, #tpu.memory_space<hbm>> -> memref<1x16x1024xf32, #tpu.memory_space<hbm>>
      %dma_wait3A_378 = tpu.memref_squeeze %dma_wait3A_377 : memref<1x16x1024xf32, #tpu.memory_space<hbm>> -> memref<16x1024xf32, #tpu.memory_space<hbm>>
      %dma_wait3A_379 = arith.constant 0 : i32
      %dma_wait3A_380 = tpu.memref_slice %arg5[%dma_wait3A_372, %mul3A_2, %dma_wait3A_379] : memref<32x2048x1024xf32, #tpu.memory_space<hbm>> -> memref<1x16x1024xf32, #tpu.memory_space<hbm>>
      %dma_wait3A_381 = tpu.memref_squeeze %dma_wait3A_380 : memref<1x16x1024xf32, #tpu.memory_space<hbm>> -> memref<16x1024xf32, #tpu.memory_space<hbm>>
      %dma_wait3A_382 = arith.constant 0 : i32
      %dma_wait3A_383 = arith.constant 0 : i32
      %dma_wait3A_384 = tpu.memref_slice %arg6[%dma_wait3A_382, %dma_wait3A_383] : memref<96x1024xf32, #tpu.memory_space<vmem>> -> memref<16x1024xf32, #tpu.memory_space<vmem>>
      tpu.wait_dma2 semaphore(%arg9 : memref<!tpu.dma_semaphore, #tpu.memory_space<semaphore_mem>>) src(%dma_wait3A_384 : memref<16x1024xf32, #tpu.memory_space<vmem>>) dst(%dma_wait3A_381 : memref<16x1024xf32, #tpu.memory_space<hbm>>)
    } else {
    }
    %eq3A_286 = arith.constant 32 : i32
    %eq3A_287 = arith.cmpi eq, %mul3A_279, %eq3A_286 : i32
    %convert_element_type3A_288 = arith.extui %eq3A_287 : i1 to i32
    %cond3A_289 = arith.constant 0 : i32
    %cond3A_290 = arith.cmpi ne, %convert_element_type3A_288, %cond3A_289 : i32
    scf.if %cond3A_290 {
      %dma_wait3A_372 = arith.constant 31 : i32
      %dma_wait3A_373 = arith.constant 0 : i32
      %dma_wait3A_374 = arith.constant 0 : i32
      %dma_wait3A_375 = tpu.memref_slice %arg6[%dma_wait3A_373, %dma_wait3A_374] : memref<96x1024xf32, #tpu.memory_space<vmem>> -> memref<32x1024xf32, #tpu.memory_space<vmem>>
      %dma_wait3A_376 = arith.constant 0 : i32
      %dma_wait3A_377 = tpu.memref_slice %arg5[%dma_wait3A_372, %mul3A_2, %dma_wait3A_376] : memref<32x2048x1024xf32, #tpu.memory_space<hbm>> -> memref<1x32x1024xf32, #tpu.memory_space<hbm>>
      %dma_wait3A_378 = tpu.memref_squeeze %dma_wait3A_377 : memref<1x32x1024xf32, #tpu.memory_space<hbm>> -> memref<32x1024xf32, #tpu.memory_space<hbm>>
      %dma_wait3A_379 = arith.constant 0 : i32
      %dma_wait3A_380 = tpu.memref_slice %arg5[%dma_wait3A_372, %mul3A_2, %dma_wait3A_379] : memref<32x2048x1024xf32, #tpu.memory_space<hbm>> -> memref<1x32x1024xf32, #tpu.memory_space<hbm>>
      %dma_wait3A_381 = tpu.memref_squeeze %dma_wait3A_380 : memref<1x32x1024xf32, #tpu.memory_space<hbm>> -> memref<32x1024xf32, #tpu.memory_space<hbm>>
      %dma_wait3A_382 = arith.constant 0 : i32
      %dma_wait3A_383 = arith.constant 0 : i32
      %dma_wait3A_384 = tpu.memref_slice %arg6[%dma_wait3A_382, %dma_wait3A_383] : memref<96x1024xf32, #tpu.memory_space<vmem>> -> memref<32x1024xf32, #tpu.memory_space<vmem>>
      tpu.wait_dma2 semaphore(%arg9 : memref<!tpu.dma_semaphore, #tpu.memory_space<semaphore_mem>>) src(%dma_wait3A_384 : memref<32x1024xf32, #tpu.memory_space<vmem>>) dst(%dma_wait3A_381 : memref<32x1024xf32, #tpu.memory_space<hbm>>)
    } else {
    }
    %eq3A_291 = arith.constant 48 : i32
    %eq3A_292 = arith.cmpi eq, %mul3A_279, %eq3A_291 : i32
    %convert_element_type3A_293 = arith.extui %eq3A_292 : i1 to i32
    %cond3A_294 = arith.constant 0 : i32
    %cond3A_295 = arith.cmpi ne, %convert_element_type3A_293, %cond3A_294 : i32
    scf.if %cond3A_295 {
      %dma_wait3A_372 = arith.constant 31 : i32
      %dma_wait3A_373 = arith.constant 0 : i32
      %dma_wait3A_374 = arith.constant 0 : i32
      %dma_wait3A_375 = tpu.memref_slice %arg6[%dma_wait3A_373, %dma_wait3A_374] : memref<96x1024xf32, #tpu.memory_space<vmem>> -> memref<48x1024xf32, #tpu.memory_space<vmem>>
      %dma_wait3A_376 = arith.constant 0 : i32
      %dma_wait3A_377 = tpu.memref_slice %arg5[%dma_wait3A_372, %mul3A_2, %dma_wait3A_376] : memref<32x2048x1024xf32, #tpu.memory_space<hbm>> -> memref<1x48x1024xf32, #tpu.memory_space<hbm>>
      %dma_wait3A_378 = tpu.memref_squeeze %dma_wait3A_377 : memref<1x48x1024xf32, #tpu.memory_space<hbm>> -> memref<48x1024xf32, #tpu.memory_space<hbm>>
      %dma_wait3A_379 = arith.constant 0 : i32
      %dma_wait3A_380 = tpu.memref_slice %arg5[%dma_wait3A_372, %mul3A_2, %dma_wait3A_379] : memref<32x2048x1024xf32, #tpu.memory_space<hbm>> -> memref<1x48x1024xf32, #tpu.memory_space<hbm>>
      %dma_wait3A_381 = tpu.memref_squeeze %dma_wait3A_380 : memref<1x48x1024xf32, #tpu.memory_space<hbm>> -> memref<48x1024xf32, #tpu.memory_space<hbm>>
      %dma_wait3A_382 = arith.constant 0 : i32
      %dma_wait3A_383 = arith.constant 0 : i32
      %dma_wait3A_384 = tpu.memref_slice %arg6[%dma_wait3A_382, %dma_wait3A_383] : memref<96x1024xf32, #tpu.memory_space<vmem>> -> memref<48x1024xf32, #tpu.memory_space<vmem>>
      tpu.wait_dma2 semaphore(%arg9 : memref<!tpu.dma_semaphore, #tpu.memory_space<semaphore_mem>>) src(%dma_wait3A_384 : memref<48x1024xf32, #tpu.memory_space<vmem>>) dst(%dma_wait3A_381 : memref<48x1024xf32, #tpu.memory_space<hbm>>)
    } else {
    }
    %eq3A_296 = arith.constant 64 : i32
    %eq3A_297 = arith.cmpi eq, %mul3A_279, %eq3A_296 : i32
    %convert_element_type3A_298 = arith.extui %eq3A_297 : i1 to i32
    %cond3A_299 = arith.constant 0 : i32
    %cond3A_300 = arith.cmpi ne, %convert_element_type3A_298, %cond3A_299 : i32
    scf.if %cond3A_300 {
      %dma_wait3A_372 = arith.constant 31 : i32
      %dma_wait3A_373 = arith.constant 0 : i32
      %dma_wait3A_374 = arith.constant 0 : i32
      %dma_wait3A_375 = tpu.memref_slice %arg6[%dma_wait3A_373, %dma_wait3A_374] : memref<96x1024xf32, #tpu.memory_space<vmem>> -> memref<64x1024xf32, #tpu.memory_space<vmem>>
      %dma_wait3A_376 = arith.constant 0 : i32
      %dma_wait3A_377 = tpu.memref_slice %arg5[%dma_wait3A_372, %mul3A_2, %dma_wait3A_376] : memref<32x2048x1024xf32, #tpu.memory_space<hbm>> -> memref<1x64x1024xf32, #tpu.memory_space<hbm>>
      %dma_wait3A_378 = tpu.memref_squeeze %dma_wait3A_377 : memref<1x64x1024xf32, #tpu.memory_space<hbm>> -> memref<64x1024xf32, #tpu.memory_space<hbm>>
      %dma_wait3A_379 = arith.constant 0 : i32
      %dma_wait3A_380 = tpu.memref_slice %arg5[%dma_wait3A_372, %mul3A_2, %dma_wait3A_379] : memref<32x2048x1024xf32, #tpu.memory_space<hbm>> -> memref<1x64x1024xf32, #tpu.memory_space<hbm>>
      %dma_wait3A_381 = tpu.memref_squeeze %dma_wait3A_380 : memref<1x64x1024xf32, #tpu.memory_space<hbm>> -> memref<64x1024xf32, #tpu.memory_space<hbm>>
      %dma_wait3A_382 = arith.constant 0 : i32
      %dma_wait3A_383 = arith.constant 0 : i32
      %dma_wait3A_384 = tpu.memref_slice %arg6[%dma_wait3A_382, %dma_wait3A_383] : memref<96x1024xf32, #tpu.memory_space<vmem>> -> memref<64x1024xf32, #tpu.memory_space<vmem>>
      tpu.wait_dma2 semaphore(%arg9 : memref<!tpu.dma_semaphore, #tpu.memory_space<semaphore_mem>>) src(%dma_wait3A_384 : memref<64x1024xf32, #tpu.memory_space<vmem>>) dst(%dma_wait3A_381 : memref<64x1024xf32, #tpu.memory_space<hbm>>)
    } else {
    }
    %gt3A_301 = arith.constant 0 : i32
    %gt3A_302 = arith.cmpi sgt, %sub3A_280, %gt3A_301 : i32
    %jit3A_303 = arith.constant 16 : i32
    %jit3A_304 = arith.constant 0 : i32
    %select_n3A_305 = arith.select %gt3A_302, %jit3A_303, %jit3A_304 : i32
    %add3A_306 = arith.addi %mul3A_279, %select_n3A_305 : i32
    %sub3A_307 = arith.constant 64 : i32
    %sub3A_308 = arith.subi %sub3A_307, %add3A_306 : i32
    %ge3A_309 = arith.constant 32 : i32
    %ge3A_310 = arith.cmpi sge, %sub3A_308, %ge3A_309 : i32
    %convert_element_type3A_311 = arith.extui %ge3A_310 : i1 to i32
    %cond3A_312 = arith.constant 0 : i32
    %cond3A_313 = arith.cmpi ne, %convert_element_type3A_311, %cond3A_312 : i32
    scf.if %cond3A_313 {
      %add3A_372 = arith.addi %mul3A_2, %add3A_306 : i32
      %dma_wait3A_373 = arith.constant 31 : i32
      %dma_wait3A_374 = arith.constant 64 : i32
      %dma_wait3A_375 = arith.constant 0 : i32
      %dma_wait3A_376 = tpu.memref_slice %arg6[%dma_wait3A_374, %dma_wait3A_375] : memref<96x1024xf32, #tpu.memory_space<vmem>> -> memref<32x1024xf32, #tpu.memory_space<vmem>>
      %dma_wait3A_377 = arith.constant 0 : i32
      %dma_wait3A_378 = tpu.memref_slice %arg5[%dma_wait3A_373, %add3A_372, %dma_wait3A_377] : memref<32x2048x1024xf32, #tpu.memory_space<hbm>> -> memref<1x32x1024xf32, #tpu.memory_space<hbm>>
      %dma_wait3A_379 = tpu.memref_squeeze %dma_wait3A_378 : memref<1x32x1024xf32, #tpu.memory_space<hbm>> -> memref<32x1024xf32, #tpu.memory_space<hbm>>
      %dma_wait3A_380 = arith.constant 0 : i32
      %dma_wait3A_381 = tpu.memref_slice %arg5[%dma_wait3A_373, %add3A_372, %dma_wait3A_380] : memref<32x2048x1024xf32, #tpu.memory_space<hbm>> -> memref<1x32x1024xf32, #tpu.memory_space<hbm>>
      %dma_wait3A_382 = tpu.memref_squeeze %dma_wait3A_381 : memref<1x32x1024xf32, #tpu.memory_space<hbm>> -> memref<32x1024xf32, #tpu.memory_space<hbm>>
      %dma_wait3A_383 = arith.constant 64 : i32
      %dma_wait3A_384 = arith.constant 0 : i32
      %dma_wait3A_385 = tpu.memref_slice %arg6[%dma_wait3A_383, %dma_wait3A_384] : memref<96x1024xf32, #tpu.memory_space<vmem>> -> memref<32x1024xf32, #tpu.memory_space<vmem>>
      tpu.wait_dma2 semaphore(%arg9 : memref<!tpu.dma_semaphore, #tpu.memory_space<semaphore_mem>>) src(%dma_wait3A_385 : memref<32x1024xf32, #tpu.memory_space<vmem>>) dst(%dma_wait3A_382 : memref<32x1024xf32, #tpu.memory_space<hbm>>)
    } else {
    }
    %eq3A_314 = arith.constant 64 : i32
    %eq3A_315 = arith.cmpi eq, %sub3A_308, %eq3A_314 : i32
    %convert_element_type3A_316 = arith.extui %eq3A_315 : i1 to i32
    %cond3A_317 = arith.constant 0 : i32
    %cond3A_318 = arith.cmpi ne, %convert_element_type3A_316, %cond3A_317 : i32
    scf.if %cond3A_318 {
      %add3A_372 = arith.addi %mul3A_2, %add3A_306 : i32
      %add3A_373 = arith.constant 32 : i32
      %add3A_374 = arith.addi %add3A_372, %add3A_373 : i32
      %dma_wait3A_375 = arith.constant 31 : i32
      %dma_wait3A_376 = arith.constant 64 : i32
      %dma_wait3A_377 = arith.constant 0 : i32
      %dma_wait3A_378 = tpu.memref_slice %arg6[%dma_wait3A_376, %dma_wait3A_377] : memref<96x1024xf32, #tpu.memory_space<vmem>> -> memref<32x1024xf32, #tpu.memory_space<vmem>>
      %dma_wait3A_379 = arith.constant 0 : i32
      %dma_wait3A_380 = tpu.memref_slice %arg5[%dma_wait3A_375, %add3A_374, %dma_wait3A_379] : memref<32x2048x1024xf32, #tpu.memory_space<hbm>> -> memref<1x32x1024xf32, #tpu.memory_space<hbm>>
      %dma_wait3A_381 = tpu.memref_squeeze %dma_wait3A_380 : memref<1x32x1024xf32, #tpu.memory_space<hbm>> -> memref<32x1024xf32, #tpu.memory_space<hbm>>
      %dma_wait3A_382 = arith.constant 0 : i32
      %dma_wait3A_383 = tpu.memref_slice %arg5[%dma_wait3A_375, %add3A_374, %dma_wait3A_382] : memref<32x2048x1024xf32, #tpu.memory_space<hbm>> -> memref<1x32x1024xf32, #tpu.memory_space<hbm>>
      %dma_wait3A_384 = tpu.memref_squeeze %dma_wait3A_383 : memref<1x32x1024xf32, #tpu.memory_space<hbm>> -> memref<32x1024xf32, #tpu.memory_space<hbm>>
      %dma_wait3A_385 = arith.constant 64 : i32
      %dma_wait3A_386 = arith.constant 0 : i32
      %dma_wait3A_387 = tpu.memref_slice %arg6[%dma_wait3A_385, %dma_wait3A_386] : memref<96x1024xf32, #tpu.memory_space<vmem>> -> memref<32x1024xf32, #tpu.memory_space<vmem>>
      tpu.wait_dma2 semaphore(%arg9 : memref<!tpu.dma_semaphore, #tpu.memory_space<semaphore_mem>>) src(%dma_wait3A_387 : memref<32x1024xf32, #tpu.memory_space<vmem>>) dst(%dma_wait3A_384 : memref<32x1024xf32, #tpu.memory_space<hbm>>)
    } else {
    }
    %jit3A_319 = arith.constant 32 : i32
    %eq3A_320 = arith.constant 0 : i32
    %eq3A_321 = arith.cmpi eq, %jit3A_319, %eq3A_320 : i32
    %jit3A_322 = arith.constant 1 : i32
    %select_n3A_323 = arith.select %eq3A_321, %jit3A_322, %jit3A_319 : i32
    %rem3A_324 = arith.remsi %sub3A_308, %select_n3A_323 : i32
    %ne3A_325 = arith.constant 0 : i32
    %ne3A_326 = arith.cmpi ne, %rem3A_324, %ne3A_325 : i32
    %lt3A_327 = arith.constant 0 : i32
    %lt3A_328 = arith.cmpi slt, %rem3A_324, %lt3A_327 : i32
    %lt3A_329 = arith.constant 0 : i32
    %lt3A_330 = arith.cmpi slt, %select_n3A_323, %lt3A_329 : i32
    %ne3A_331 = arith.xori %lt3A_328, %lt3A_330 : i1
    %and3A_332 = arith.andi %ne3A_331, %ne3A_326 : i1
    %add3A_333 = arith.addi %rem3A_324, %select_n3A_323 : i32
    %select_n3A_334 = arith.select %and3A_332, %add3A_333, %rem3A_324 : i32
    %eq3A_335 = arith.constant 16 : i32
    %eq3A_336 = arith.cmpi eq, %select_n3A_334, %eq3A_335 : i32
    %convert_element_type3A_337 = arith.extui %eq3A_336 : i1 to i32
    %cond3A_338 = arith.constant 0 : i32
    %cond3A_339 = arith.cmpi ne, %convert_element_type3A_337, %cond3A_338 : i32
    scf.if %cond3A_339 {
      %add3A_372 = arith.addi %mul3A_2, %add3A_306 : i32
      %add3A_373 = arith.addi %add3A_372, %sub3A_308 : i32
      %sub3A_374 = arith.constant 16 : i32
      %sub3A_375 = arith.subi %add3A_373, %sub3A_374 : i32
      %dma_wait3A_376 = arith.constant 31 : i32
      %dma_wait3A_377 = arith.constant 64 : i32
      %dma_wait3A_378 = arith.constant 0 : i32
      %dma_wait3A_379 = tpu.memref_slice %arg6[%dma_wait3A_377, %dma_wait3A_378] : memref<96x1024xf32, #tpu.memory_space<vmem>> -> memref<16x1024xf32, #tpu.memory_space<vmem>>
      %dma_wait3A_380 = arith.constant 0 : i32
      %dma_wait3A_381 = tpu.memref_slice %arg5[%dma_wait3A_376, %sub3A_375, %dma_wait3A_380] : memref<32x2048x1024xf32, #tpu.memory_space<hbm>> -> memref<1x16x1024xf32, #tpu.memory_space<hbm>>
      %dma_wait3A_382 = tpu.memref_squeeze %dma_wait3A_381 : memref<1x16x1024xf32, #tpu.memory_space<hbm>> -> memref<16x1024xf32, #tpu.memory_space<hbm>>
      %dma_wait3A_383 = arith.constant 0 : i32
      %dma_wait3A_384 = tpu.memref_slice %arg5[%dma_wait3A_376, %sub3A_375, %dma_wait3A_383] : memref<32x2048x1024xf32, #tpu.memory_space<hbm>> -> memref<1x16x1024xf32, #tpu.memory_space<hbm>>
      %dma_wait3A_385 = tpu.memref_squeeze %dma_wait3A_384 : memref<1x16x1024xf32, #tpu.memory_space<hbm>> -> memref<16x1024xf32, #tpu.memory_space<hbm>>
      %dma_wait3A_386 = arith.constant 64 : i32
      %dma_wait3A_387 = arith.constant 0 : i32
      %dma_wait3A_388 = tpu.memref_slice %arg6[%dma_wait3A_386, %dma_wait3A_387] : memref<96x1024xf32, #tpu.memory_space<vmem>> -> memref<16x1024xf32, #tpu.memory_space<vmem>>
      tpu.wait_dma2 semaphore(%arg9 : memref<!tpu.dma_semaphore, #tpu.memory_space<semaphore_mem>>) src(%dma_wait3A_388 : memref<16x1024xf32, #tpu.memory_space<vmem>>) dst(%dma_wait3A_385 : memref<16x1024xf32, #tpu.memory_space<hbm>>)
    } else {
    }
    %jit3A_340 = arith.constant 16 : i32
    %div3A_341 = arith.divsi %scan3A_94#0, %jit3A_340 : i32
    %sign3A_342 = arith.constant 0 : i32
    %sign3A_343 = arith.cmpi sgt, %scan3A_94#0, %sign3A_342 : i32
    %sign3A_344 = arith.extui %sign3A_343 : i1 to i32
    %sign3A_345 = arith.constant 0 : i32
    %sign3A_346 = arith.cmpi slt, %scan3A_94#0, %sign3A_345 : i32
    %sign3A_347 = arith.extui %sign3A_346 : i1 to i32
    %sign3A_348 = arith.subi %sign3A_344, %sign3A_347 : i32
    %sign3A_349 = arith.constant 0 : i32
    %sign3A_350 = arith.cmpi sgt, %jit3A_340, %sign3A_349 : i32
    %sign3A_351 = arith.extui %sign3A_350 : i1 to i32
    %sign3A_352 = arith.constant 0 : i32
    %sign3A_353 = arith.cmpi slt, %jit3A_340, %sign3A_352 : i32
    %sign3A_354 = arith.extui %sign3A_353 : i1 to i32
    %sign3A_355 = arith.subi %sign3A_351, %sign3A_354 : i32
    %ne3A_356 = arith.cmpi ne, %sign3A_348, %sign3A_355 : i32
    %rem3A_357 = arith.remsi %scan3A_94#0, %jit3A_340 : i32
    %ne3A_358 = arith.constant 0 : i32
    %ne3A_359 = arith.cmpi ne, %rem3A_357, %ne3A_358 : i32
    %and3A_360 = arith.andi %ne3A_356, %ne3A_359 : i1
    %sub3A_361 = arith.constant 1 : i32
    %sub3A_362 = arith.subi %div3A_341, %sub3A_361 : i32
    %select_n3A_363 = arith.select %and3A_360, %sub3A_362, %div3A_341 : i32
    %mul3A_364 = arith.constant 16 : i32
    %mul3A_365 = arith.muli %select_n3A_363, %mul3A_364 : i32
    %sub3A_366 = arith.subi %scan3A_94#0, %mul3A_365 : i32
    %gt3A_367 = arith.constant 0 : i32
    %gt3A_368 = arith.cmpi sgt, %sub3A_366, %gt3A_367 : i32
    %convert_element_type3A_369 = arith.extui %gt3A_368 : i1 to i32
    %cond3A_370 = arith.constant 0 : i32
    %cond3A_371 = arith.cmpi ne, %convert_element_type3A_369, %cond3A_370 : i32
    scf.if %cond3A_371 {
      %add3A_372 = arith.addi %mul3A_2, %mul3A_365 : i32
      %dma_wait3A_373 = arith.constant 31 : i32
      %dma_wait3A_374 = arith.constant 0 : i32
      %dma_wait3A_375 = tpu.memref_slice %arg5[%dma_wait3A_373, %add3A_372, %dma_wait3A_374] : memref<32x2048x1024xf32, #tpu.memory_space<hbm>> -> memref<1x16x1024xf32, #tpu.memory_space<hbm>>
      %dma_wait3A_376 = tpu.memref_squeeze %dma_wait3A_375 : memref<1x16x1024xf32, #tpu.memory_space<hbm>> -> memref<16x1024xf32, #tpu.memory_space<hbm>>
      %dma_wait3A_377 = arith.constant 0 : i32
      %dma_wait3A_378 = tpu.memref_slice %arg5[%dma_wait3A_373, %add3A_372, %dma_wait3A_377] : memref<32x2048x1024xf32, #tpu.memory_space<hbm>> -> memref<1x16x1024xf32, #tpu.memory_space<hbm>>
      %dma_wait3A_379 = tpu.memref_squeeze %dma_wait3A_378 : memref<1x16x1024xf32, #tpu.memory_space<hbm>> -> memref<16x1024xf32, #tpu.memory_space<hbm>>
      tpu.wait_dma2 semaphore(%arg11 : memref<!tpu.dma_semaphore, #tpu.memory_space<semaphore_mem>>) src(%arg7 : memref<16x1024xf32, #tpu.memory_space<vmem>>) dst(%dma_wait3A_379 : memref<16x1024xf32, #tpu.memory_space<hbm>>)
    } else {
    }
    return
  }
}

</mosaic_0001>

<sc_bundles>
// kernel: kernel.3.cloned.1.call-start
scs
__scs_entry_jumppad:
0x0: {  	(pc) =	sbr.rel $0x88, $3  }
0x1: {  	(tag) =	ssettag $0x0;
	lr =	simm.s32 $0x1  }
0x2: {  	[smem:$0x3F9F] =	sst lr;
	_ =	strace $0xD0000000  }
0x3: {  	_ = 	snop  }
0x4: {  	_ = 	snop  }
0x5: {  	_ = 	snop  }
0x6: {  	_ = 	snop  }
0x7: {  	_ = 	snop  }
__scs_overlays_trampoline_lowered:
0x8: {  	[smem:$0x3FAE] =	sst s0  }
0x9: {  	[smem:$0x3FAF] =	sst s1  }
0xa: {  	[smem:$0x3FB0] =	sst s2  }
0xb: {  	[smem:$0x3FB1] =	sst s3  }
0xc: {  	[smem:$0x3FB2] =	sst s4  }
0xd: {  	[smem:$0x3FB3] =	sst s5  }
0xe: {  	[smem:$0x3FB4] =	sst s6  }
0xf: {  	[smem:$0x3FB5] =	sst s7  }
0x10: {  	[smem:$0x3FB6] =	sst s8  }
0x11: {  	[smem:$0x3FB7] =	sst s9;
	s0 =	simm.s32 @!p0 $0x0  }
0x12: {  	s1 =	sld [smem:$0x3F9D];
	s0 =	simm.s32 @p0 $0x1  }
0x13: {  	[smem:$0x3FB8] =	sst s0;
	s0 =	simm.s32 @!p1 $0x0  }
0x14: {  	s2 =	sld [smem:$0x3F9C];
	s0 =	simm.s32 @p1 $0x1  }
0x15: {  	[smem:$0x3FB9] =	sst s0;
	s0 =	simm.s32 @!p2 $0x0  }
0x16: {  	s3 =	sld [smem:$0x3FDB];
	s0 =	simm.s32 @p2 $0x1  }
0x17: {  	s4 =	simm.s32 $0x1BF5;
	[smem:$0x3FBB] =	sst s0  }
0x18: {  	s0 =	sld [smem:$0x3F9E];
	_ =	swait.ge [sflag:s4], $0x0  }
0x19: {  	s7 =	sld [smem:$0x3F9F]  }
0x1a: {  	s8 =	sadd.s32 $0xFFFFE003, lr  }
0x1b: {  	s9 =	sadd.s32 $0xFFFFFEF7, lr;
	s5 =	simm.s32 $0xFFFFFFFF;
	p2 =	slt.u32 s8, $0xFFFFF086  }
0x1c: {  	p1 =	slt.u32 s9, $0xF7A;
	s5 =	simm.s32 @!p2 $0x0  }
0x1d: {  	s5 =	simm.s32 @p1 $0x1;
	p0 =	seq.s32 s7, s2  }
0x1e: {  	s7 =	smul.u32 @!p0 $0xF7A, s2;
	p2 =	seq.s32 @!p0 s5, $0x0  }
0x1f: {  	s9 =	smul.u32 $0xF7A, s1;
	s8 =	simm.s32 @!p0 $0x1BF5;
	p2 =	por !p2, p0  }
0x20: {  	[sflag:s8] =	ssyncset.s32 @!p0 $0xFFFFF086;
	s6 =	sadd.s32 @!p0 s3, s7;
	s7 =	simm.s32 @!p0 $0x108  }
0x21: {  	s3 =	sadd.s32 s3, s9;
	s6 =	sadd.s32 @!p0 $0x88, s6;
	s7 =	simm.s32 @p2 $0x1082  }
0x22: {  	[simem:s7], [sflag:s8] =	dma.local @!p0 [hbm:s6], $0xF7A  }
0x23: {  	s9 =	sor.u32 $0xD0000000, s2;
	s6 =	simm.s32 $0x108;
	_ =	swait.ge @!p0 [sflag:s8], $0x0  }
0x24: {  	s3 =	sadd.s32 $0x88, s3;
	s6 =	simm.s32 @!p1 $0x1082;
	[sflag:s4] =	ssyncset.s32 $0xFFFFF086  }
0x25: {  	[simem:s6], [sflag:s4] =	dma.local [hbm:s3], $0xF7A  }
0x26: {  	[smem:$0x3F9F] =	sst s1;
	(tag) =	ssettag s2;
	_ =	strace s9  }
0x27: {  	s1 =	sld [smem:$0x3FAF]  }
0x28: {  	s2 =	sld [smem:$0x3FB0]  }
0x29: {  	s4 =	sld [smem:$0x3FB2]  }
0x2a: {  	p0 =	seq.s32 s5, $0x0;
	s5 =	sld [smem:$0x3FB3]  }
0x2b: {  	s6 =	sld [smem:$0x3FB4]  }
0x2c: {  	s7 =	sld [smem:$0x3FB5]  }
0x2d: {  	s3 =	simm.s32 $0x108;
	s8 =	sld [smem:$0x3FB6]  }
0x2e: {  	s3 =	simm.s32 @!p0 $0x1082;
	s9 =	sld [smem:$0x3FB7]  }
0x2f: {  	lr =	sadd.s32 s0, s3;
	s0 =	sld [smem:$0x3FAE]  }
0x30: {  	s3 =	sld [smem:$0x3FB1]  }
0x31: {  	[smem:$0x3FBA] =	sst s10  }
0x32: {  	s10 =	sld [smem:$0x3FB8];
	_ =	sdelay $0x3  }
0x33: {  	p0 =	seq.s32 s10, $0x1;
	s10 =	sld [smem:$0x3FBA];
	_ =	sdelay $0x3  }
0x34: {  	[smem:$0x3FBA] =	sst s10  }
0x35: {  	s10 =	sld [smem:$0x3FB9];
	_ =	sdelay $0x3  }
0x36: {  	p1 =	seq.s32 s10, $0x1;
	s10 =	sld [smem:$0x3FBA];
	_ =	sdelay $0x3  }
0x37: {  	[smem:$0x3FBA] =	sst s10  }
0x38: {  	s10 =	sld [smem:$0x3FBB]  }
0x39: {  	_ = 	snop;
	(pc) =	sbr.ind lr, $3  }
0x3a: {  	_ = 	snop  }
0x3b: {  	_ = 	snop  }
0x3c: {  	p2 =	seq.s32 s10, $0x1;
	s10 =	sld [smem:$0x3FBA]  }
0x3d: {  	_ =	shalt  }
0x3e: {  	_ =	shalt  }
0x3f: {  	_ =	shalt  }
0x40: {  	_ =	shalt  }
0x41: {  	_ =	shalt  }
0x42: {  	_ =	shalt  }
0x43: {  	_ =	shalt  }
0x44: {  	_ =	shalt  }
0x45: {  	_ =	shalt  }
0x46: {  	_ =	shalt  }
0x47: {  	_ =	shalt  }
0x48: {  	_ =	shalt  }
0x49: {  	_ =	shalt  }
0x4a: {  	_ =	shalt  }
0x4b: {  	_ =	shalt  }
0x4c: {  	_ =	shalt  }
0x4d: {  	_ =	shalt  }
0x4e: {  	_ =	shalt  }
0x4f: {  	_ =	shalt  }
0x50: {  	_ =	shalt  }
0x51: {  	_ =	shalt  }
0x52: {  	_ =	shalt  }
0x53: {  	_ =	shalt  }
0x54: {  	_ =	shalt  }
0x55: {  	_ =	shalt  }
0x56: {  	_ =	shalt  }
0x57: {  	_ =	shalt  }
0x58: {  	_ =	shalt  }
0x59: {  	_ =	shalt  }
0x5a: {  	_ =	shalt  }
0x5b: {  	_ =	shalt  }
0x5c: {  	_ =	shalt  }
0x5d: {  	_ =	shalt  }
0x5e: {  	_ =	shalt  }
0x5f: {  	_ =	shalt  }
0x60: {  	_ =	shalt  }
0x61: {  	_ =	shalt  }
0x62: {  	_ =	shalt  }
0x63: {  	_ =	shalt  }
0x64: {  	_ =	shalt  }
0x65: {  	_ =	shalt  }
0x66: {  	_ =	shalt  }
0x67: {  	_ =	shalt  }
0x68: {  	_ =	shalt  }
0x69: {  	_ =	shalt  }
0x6a: {  	_ =	shalt  }
0x6b: {  	_ =	shalt  }
0x6c: {  	_ =	shalt  }
0x6d: {  	_ =	shalt  }
0x6e: {  	_ =	shalt  }
0x6f: {  	_ =	shalt  }
0x70: {  	_ =	shalt  }
0x71: {  	_ =	shalt  }
0x72: {  	_ =	shalt  }
0x73: {  	_ =	shalt  }
0x74: {  	_ =	shalt  }
0x75: {  	_ =	shalt  }
0x76: {  	_ =	shalt  }
0x77: {  	_ =	shalt  }
0x78: {  	_ =	shalt  }
0x79: {  	_ =	shalt  }
0x7a: {  	_ =	shalt  }
0x7b: {  	_ =	shalt  }
0x7c: {  	_ =	shalt  }
0x7d: {  	_ =	shalt  }
0x7e: {  	_ =	shalt  }
0x7f: {  	_ =	shalt  }
0x80: {  	_ =	shalt  }
0x81: {  	_ =	shalt  }
0x82: {  	_ =	shalt  }
0x83: {  	_ =	shalt  }
0x84: {  	_ =	shalt  }
0x85: {  	_ =	shalt  }
0x86: {  	_ =	shalt  }
0x87: {  	_ =	shalt  }
.Lfunc_end0:
.L_simem_size_0:
called_computation_lowered:
.L_overlay_start_0:
0x88: {  	s2 =	sld [smem:$0x3FD9]  }
0x89: {  	s3 =	sld [smem:$0x3FFE];
	_ =	sdelay $0x1  }
0x8a: {  	s1 =	srdreg.scid  }
0x8b: {  	s0 =	sand.u32 $0x1, s1  }
0x8c: {  	s17 =	sshll.u32 s0, $0xA;
	s2 =	sadd.s32 s3, s2  }
0x8d: {  	s2 =	sadd.s32 s2, s17  }
0x8e: {  	[smem:$0x3FC6] =	sst s2  }
0x8f: {  	_ = 	snop  }
0x90: {  	s2 =	sld [smem:$0x3FC9]  }
0x91: {  	s18 =	sld [smem:$0x3FC8]  }
0x92: {  	s4 =	sld [smem:$0x3FD0];
	(tm) =	ssettm $0x1  }
0x93: {  	s5 =	sld [smem:$0x3FFB];
	_ =	sdelay $0x3  }
0x94: {  	_ =	strace s5  }
0x95: {  	s5 =	sld [smem:$0x3FFC];
	_ =	sdelay $0x3  }
0x96: {  	_ =	strace s5  }
0x97: {  	s5 =	sld [smem:$0x3FFD];
	_ =	sdelay $0x3  }
0x98: {  	_ =	strace s5  }
0x99: {  	_ =	strace $0x8FFFFFFF  }
0x9a: {  	s19 =	sld [smem:$0x3FDB];
	_ =	sdelay $0x1  }
0x9b: {  	s6 =	simm.s32 $_scs_section_size  }
0x9c: {  	s7 =	simm.s32 $_size__tile_overlayer_lowered;
	s8 =	simm.s32 $_tile_overlayer_lowered  }
0x9d: {  	s22 =	simm.s32 $0x1BFF;
	s21 =	sshll.u32 s8, $0x1;
	s5 =	sadd.s32 s6, s19  }
0x9e: {  	s9 =	simm.s32 $0x0;
	s20 =	sshll.u32 s7, $0x1;
	s7 =	sadd.s32 s21, s5  }
0x9f: {  	[timem:s9], [sflag:s22] =	dma.local [hbm:s7], s20  }
0xa0: {  	_ =	swait.ge [sflag:s22], s20  }
0xa1: {  	s6 =	ssub.s32 $0x0, s20;
	[sflag:s22] =	ssyncset.done $0x0  }
0xa2: {  	[sflag:s22] =	ssyncadd.s32 s6;
	_ =	sdelay $0x1  }
0xa3: {  	s23 =	simm.s32 $0x1B8B  }
0xa4: {  	_ =	swait.ge [sflag:s23], $0x1  }
0xa5: {  	[sflag:s23] =	ssyncset.done $0x0  }
0xa6: {  	s25 =	simm.s32 $0x1B8E;
	s24 =	sld [smem:$0x3FFE];
	[sflag:s23] =	ssyncadd.s32 $0xFFFFFFFF  }
0xa7: {  	s26 =	simm.s32 $execute0_lowered;
	[smem:$0x3FD2] =	sst s25  }
0xa8: {  	s7 =	sshll.u32 s26, $0x1;
	_ =	strace $0x80000046;
	[dreg:$0x1] =	wrdreg $0xFFFFFFFF  }
0xa9: {  	s28 =	simm.s32 $_size_execute0_lowered;
	s5 =	sadd.s32 s5, s7;
	[dreg:$0x0] =	wrdreg $0x0  }
0xaa: {  	s7 =	sshll.u32 s28, $0x1;
	[dreg:$0x2] =	wrdreg s5  }
0xab: {  	[dreg:$0x3] =	wrdreg s7  }
0xac: {  	[dreg:$0x4] =	wrdreg $0xC0  }
0xad: {  	_ =	task [dreg:s9], $0x5FFFF  }
0xae: {  	[dreg:$0x1] =	wrdreg $0xFFFFFFFF  }
0xaf: {  	[dreg:$0x0] =	wrdreg $0x60  }
0xb0: {  	[dreg:$0x2] =	wrdreg s2  }
0xb1: {  	[dreg:$0x3] =	wrdreg s18  }
0xb2: {  	[dreg:$0x4] =	wrdreg s24  }
0xb3: {  	[dreg:$0x5] =	wrdreg s4  }
0xb4: {  	[dreg:$0x6] =	wrdreg $0x9  }
0xb5: {  	_ =	task.clear_ibuf [dreg:s9], $0x7FFFF;
	_ =	strace $0x90000046  }
0xb6: {  	s29 =	simm.s32 $0x9;
	_ =	strace $0x80000048  }
0xb7: {  	_ =	swait.ge [sflag:s29], $0x1  }
0xb8: {  	[sflag:s29] =	ssyncadd.s32 $0xFFFFFFFF  }
0xb9: {  	_ =	strace $0x90000048  }
0xba: {  	_ =	sfence  }
0xbb: {  	s30 =	sld [smem:$0x0];
	_ =	sdelay $0x2  }
0xbc: {  	s31 =	sshll.u32 s1, $0xD;
	s1 =	sshrl.u32 s1, $0x2  }
0xbd: {  	s3 =	sand.u32 $0x4000, s31;
	s1 =	sadd.s32 s1, s30  }
0xbe: {  	s0 =	sor.u32 s3, s0;
	s1 =	sshll.u32 s1, $0x11  }
0xbf: {  	s0 =	sor.u32 s1, s0  }
0xc0: {  	s0 =	sadd.s32 $0x8F2B, s0  }
0xc1: {  	[sflag:s0] =	ssyncadd.remote.s32 $0x1  }
0xc2: {  	_ =	sfence.sel $0xFFFF  }
0xc3: {  	[dreg:$0x0] =	wrdreg $0xFFFFFFFF;
	(pc) =	sbr.abs _section_cstart, $3  }
0xc4: {  	[dreg:$0x1] =	wrdreg $0xFFFFFFFF  }
0xc5: {  	_ =	task.clear_ibuf [dreg:s9], $0x2FFFF;
	_ =	strace $0x9FFFFFFF  }
0xc6: {  	(tm) =	ssettm $0x7FFFFFFF  }
0xc7: {  	_ =	shalt  }
tec
execute0_lowered:
.L_overlay_start_1:
0x0: {  	(tag) =	ssettag $0x1  }
0x1: {  	s1 =	srdreg.scid  }
0x2: {  	s12 =	stileid.u32;
	s1 =	sand.u32 $0x1, s1  }
0x3: {  	s6 =	sshll.u32 s12, $0x7;
	s7 =	sshll.u32 s1, $0x6  }
0x4: {  	s6 =	sor.u32 s7, s6  }
0x5: {  	v0 =	vlaneseq.u32;
	s25 =	sor.u32 $0x1, s6  }
0x6: {  	v4 =	vand.u32 $0x7, v0;
	v1 =	vadd.s32 s25, v0  }
0x7: {  	v3 =	vshrl.u32 v0, $0x3;
	v5 =	vor.u32 $0x8, v0;
	v2 =	vshll.u32 v1, $0x3  }
0x8: {  	v8 =	vmul.u32 $0x8, v3;
	s26 =	sor.u32 $0x11, s6;
	s13 =	sor.u32 $0x21, s6;
	v1 =	vand.u32 $0x7, v1;
	v2 =	vand.u32 $0x7FFFFFC0, v2  }
0x9: {  	s2 =	rddreg [dreg:$0x1];
	v3 =	vadd.s32 s26, v0;
	v7 =	vadd.s32 s13, v0;
	v1 =	vor.u32 v1, v2  }
0xa: {  	s0 =	rddreg [dreg:$0x2];
	s15 =	sor.u32 $0x31, s6;
	v2 =	vperm.xlane v1, v4;
	v6 =	vperm.xlane v1, v5;
	v1 =	vshll.u32 v3, $0x3  }
0xb: {  	s3 =	rddreg [dreg:$0x3];
	v10 =	vadd.s32 s15, v0;
	v3 =	vand.u32 $0x7, v3;
	v9 =	vand.u32 $0x7FFFFFC0, v1  }
0xc: {  	s5 =	simm.s32 $0x0;
	s28 =	simm.s32 $0x10000;
	s30 =	simm.s32 $0x4;
	v1 =	vadd.s32 v8, v2;
	v2 =	vadd.s32 v8, v6;
	v3 =	vor.u32 v3, v9  }
0xd: {  	s31 =	simm.s32 $0x2;
	[smem:$0x7FF] =	sst s5;
	s9 =	sadd.s32 $0x200, s2;
	v6 =	vperm.xlane v3, v4;
	v9 =	vperm.xlane v3, v5;
	v3 =	vshll.u32 v7, $0x3  }
0xe: {  	s10 =	sadd.s32 $0x300, s2;
	s14 =	sshll.u32 s12, $0xE;
	s4 =	ssub.s32 $0x2, s1;
	v11 =	vshll.u32 v10, $0x3;
	v7 =	vand.u32 $0x7, v7;
	v3 =	vand.u32 $0x7FFFFFC0, v3  }
.Ltmp0:
0xf: {  	_ =	strace $0x80000047;
	s29 =	sadd.s32 s14, s3;
	v3 =	vor.u32 v7, v3;
	v7 =	vand.u32 $0x7, v10;
	v10 =	vand.u32 $0x7FFFFFC0, v11;
	(pc) =	sbr.rel .LBB2_1-.Ltmp0, $4  }
0x10: {  	s1 =	sshll.u32 s1, $0xD;
	s8 =	sshrl.u32 s4, $0x1;
	s7 =	sadd.s32 $0x400, s0;
	v11 =	vperm.xlane v3, v4;
	v12 =	vperm.xlane v3, v5;
	v7 =	vor.u32 v7, v10  }
0x11: {  	vm0 =	vmmov $0xffff;
	s18 =	sadd.s32 s1, s29;
	s0 =	simm.s32 $0x1;
	s24 =	ssub.s32 s4, s8;
	v10 =	vperm.xlane v7, v4;
	v13 =	vperm.xlane v7, v5  }
0x12: {  	s8 =	sadd.s32 $0x100, s2;
	s11 =	sshll.u32 s6, $0x7;
	s14 =	ssub.s32 $0x0, s6;
	v3 =	vadd.s32 v8, v6;
	v4 =	vadd.s32 v8, v9;
	v5 =	vadd.s32 v8, v11  }
0x13: {  	s4 =	simm.s32 $0x0;
	s11 =	sadd.s32 s3, s11;
	s12 =	smax.u32 s24, $0x1;
	v6 =	vadd.s32 v8, v12;
	v7 =	vadd.s32 v8, v10;
	v8 =	vadd.s32 v8, v13  }
.LBB2_42:
0x14: {  	s1 =	ssub.s32 $0x0, s1  }
0x15: {  	s1 =	sand.u32 $0x10, s1  }
0x16: {  	p1 =	seq.s32 s1, $0x0  }
0x17: {  	s1 =	simm.s32 @!p1 $0x1  }
0x18: {  	_ =	swait.ge @!p1 [sflag:s1], $0x4000  }
0x19: {  	[sflag:s1] =	ssyncset.done @!p1 $0x0  }
0x1a: {  	[sflag:s1] =	ssyncadd.s32 @!p1 $0xFFFFC000  }
.LBB2_43:
0x1b: {  	s4 =	sadd.s32 $0x1, s4  }
0x1c: {  	p1 =	sne.s32 s4, s12  }
.Ltmp1:
0x1d: {  	_ = 	snop;
	(pc) =	sbr.rel @!p1 .LBB2_44-.Ltmp1, $4  }
0x1e: {  	s1 =	simm.s32 @!p0 $0x3  }
0x1f: {  	_ =	swait.ge @!p0 [sflag:s1], $0x4000  }
0x20: {  	[sflag:s1] =	ssyncset.done @!p0 $0x0  }
0x21: {  	[sflag:s1] =	ssyncadd.s32 @!p0 $0xFFFFC000  }
.LBB2_1:
0x22: {  	_ =	sdelay $0x3  }
0x23: {  	[tilespmem:s5], [sflag:$0x2] =	stream.indirect_vreg.gather [hbm4b:s2+s5], $0x80, v1, vm0, $0xb8;
	[tilespmem:$0x1C080] =	vst v63  }
0x24: {  	s1 =	simm.s32 $0x800  }
0x25: {  	[tilespmem:s1], [sflag:$0x2] =	stream.indirect_vreg.gather [hbm4b:s8+s5], $0x80, v1, vm0, $0xb8;
	[tilespmem:$0x1C080] =	vst v63  }
0x26: {  	s23 =	simm.s32 $0x1000  }
0x27: {  	[tilespmem:s23], [sflag:$0x2] =	stream.indirect_vreg.gather [hbm4b:s9+s5], $0x80, v1, vm0, $0xb8;
	[tilespmem:$0x1C080] =	vst v63  }
0x28: {  	s24 =	simm.s32 $0x1800  }
0x29: {  	[tilespmem:s24], [sflag:$0x2] =	stream.indirect_vreg.gather [hbm4b:s10+s5], $0x80, v1, vm0, $0xb8;
	[tilespmem:$0x1C080] =	vst v63  }
0x2a: {  	s25 =	simm.s32 $0x2000  }
0x2b: {  	[tilespmem:s25], [sflag:$0x2] =	stream.indirect_vreg.gather [hbm4b:s2+s5], $0x80, v2, vm0, $0xb8;
	[tilespmem:$0x1C080] =	vst v63  }
0x2c: {  	s26 =	simm.s32 $0x2800  }
0x2d: {  	[tilespmem:s26], [sflag:$0x2] =	stream.indirect_vreg.gather [hbm4b:s8+s5], $0x80, v2, vm0, $0xb8;
	[tilespmem:$0x1C080] =	vst v63  }
0x2e: {  	s29 =	simm.s32 $0x3000  }
0x2f: {  	[tilespmem:s29], [sflag:$0x2] =	stream.indirect_vreg.gather [hbm4b:s9+s5], $0x80, v2, vm0, $0xb8;
	[tilespmem:$0x1C080] =	vst v63  }
0x30: {  	s13 =	simm.s32 $0x3800  }
0x31: {  	[tilespmem:s13], [sflag:$0x2] =	stream.indirect_vreg.gather [hbm4b:s10+s5], $0x80, v2, vm0, $0xb8;
	[tilespmem:$0x1C080] =	vst v63  }
0x32: {  	s15 =	simm.s32 $0x4000  }
0x33: {  	[tilespmem:s15], [sflag:$0x2] =	stream.indirect_vreg.gather [hbm4b:s2+s5], $0x80, v3, vm0, $0xb8;
	[tilespmem:$0x1C080] =	vst v63  }
0x34: {  	s16 =	simm.s32 $0x4800  }
0x35: {  	[tilespmem:s16], [sflag:$0x2] =	stream.indirect_vreg.gather [hbm4b:s8+s5], $0x80, v3, vm0, $0xb8;
	[tilespmem:$0x1C080] =	vst v63  }
0x36: {  	s17 =	simm.s32 $0x5000  }
0x37: {  	[tilespmem:s17], [sflag:$0x2] =	stream.indirect_vreg.gather [hbm4b:s9+s5], $0x80, v3, vm0, $0xb8;
	[tilespmem:$0x1C080] =	vst v63  }
0x38: {  	s19 =	simm.s32 $0x5800  }
0x39: {  	[tilespmem:s19], [sflag:$0x2] =	stream.indirect_vreg.gather [hbm4b:s10+s5], $0x80, v3, vm0, $0xb8;
	[tilespmem:$0x1C080] =	vst v63  }
0x3a: {  	s20 =	simm.s32 $0x6000  }
0x3b: {  	[tilespmem:s20], [sflag:$0x2] =	stream.indirect_vreg.gather [hbm4b:s2+s5], $0x80, v4, vm0, $0xb8;
	[tilespmem:$0x1C080] =	vst v63  }
0x3c: {  	s21 =	simm.s32 $0x6800  }
0x3d: {  	[tilespmem:s21], [sflag:$0x2] =	stream.indirect_vreg.gather [hbm4b:s8+s5], $0x80, v4, vm0, $0xb8;
	[tilespmem:$0x1C080] =	vst v63  }
0x3e: {  	s22 =	simm.s32 $0x7000  }
0x3f: {  	[tilespmem:s22], [sflag:$0x2] =	stream.indirect_vreg.gather [hbm4b:s9+s5], $0x80, v4, vm0, $0xb8;
	[tilespmem:$0x1C080] =	vst v63  }
0x40: {  	s23 =	simm.s32 $0x7800  }
0x41: {  	[tilespmem:s23], [sflag:$0x2] =	stream.indirect_vreg.gather [hbm4b:s10+s5], $0x80, v4, vm0, $0xb8;
	[tilespmem:$0x1C080] =	vst v63  }
0x42: {  	s24 =	simm.s32 $0x8000  }
0x43: {  	[tilespmem:s24], [sflag:$0x2] =	stream.indirect_vreg.gather [hbm4b:s2+s5], $0x80, v5, vm0, $0xb8;
	[tilespmem:$0x1C080] =	vst v63  }
0x44: {  	s25 =	simm.s32 $0x8800  }
0x45: {  	[tilespmem:s25], [sflag:$0x2] =	stream.indirect_vreg.gather [hbm4b:s8+s5], $0x80, v5, vm0, $0xb8;
	[tilespmem:$0x1C080] =	vst v63  }
0x46: {  	s26 =	simm.s32 $0x9000  }
0x47: {  	[tilespmem:s26], [sflag:$0x2] =	stream.indirect_vreg.gather [hbm4b:s9+s5], $0x80, v5, vm0, $0xb8;
	[tilespmem:$0x1C080] =	vst v63  }
0x48: {  	s29 =	simm.s32 $0x9800  }
0x49: {  	[tilespmem:s29], [sflag:$0x2] =	stream.indirect_vreg.gather [hbm4b:s10+s5], $0x80, v5, vm0, $0xb8;
	[tilespmem:$0x1C080] =	vst v63  }
0x4a: {  	s13 =	simm.s32 $0xA000  }
0x4b: {  	[tilespmem:s13], [sflag:$0x2] =	stream.indirect_vreg.gather [hbm4b:s2+s5], $0x80, v6, vm0, $0xb8;
	[tilespmem:$0x1C080] =	vst v63  }
0x4c: {  	s15 =	simm.s32 $0xA800  }
0x4d: {  	[tilespmem:s15], [sflag:$0x2] =	stream.indirect_vreg.gather [hbm4b:s8+s5], $0x80, v6, vm0, $0xb8;
	[tilespmem:$0x1C080] =	vst v63  }
0x4e: {  	s16 =	simm.s32 $0xB000  }
0x4f: {  	[tilespmem:s16], [sflag:$0x2] =	stream.indirect_vreg.gather [hbm4b:s9+s5], $0x80, v6, vm0, $0xb8;
	[tilespmem:$0x1C080] =	vst v63  }
0x50: {  	s17 =	simm.s32 $0xB800  }
0x51: {  	[tilespmem:s17], [sflag:$0x2] =	stream.indirect_vreg.gather [hbm4b:s10+s5], $0x80, v6, vm0, $0xb8;
	[tilespmem:$0x1C080] =	vst v63  }
0x52: {  	s19 =	simm.s32 $0xC000  }
0x53: {  	[tilespmem:s19], [sflag:$0x2] =	stream.indirect_vreg.gather [hbm4b:s2+s5], $0x80, v7, vm0, $0xb8;
	[tilespmem:$0x1C080] =	vst v63  }
0x54: {  	s20 =	simm.s32 $0xC800  }
0x55: {  	[tilespmem:s20], [sflag:$0x2] =	stream.indirect_vreg.gather [hbm4b:s8+s5], $0x80, v7, vm0, $0xb8;
	[tilespmem:$0x1C080] =	vst v63  }
0x56: {  	s21 =	simm.s32 $0xD000  }
0x57: {  	[tilespmem:s21], [sflag:$0x2] =	stream.indirect_vreg.gather [hbm4b:s9+s5], $0x80, v7, vm0, $0xb8;
	[tilespmem:$0x1C080] =	vst v63  }
0x58: {  	s22 =	simm.s32 $0xD800  }
0x59: {  	[tilespmem:s22], [sflag:$0x2] =	stream.indirect_vreg.gather [hbm4b:s10+s5], $0x80, v7, vm0, $0xb8;
	[tilespmem:$0x1C080] =	vst v63  }
0x5a: {  	s23 =	simm.s32 $0xE000  }
0x5b: {  	[tilespmem:s23], [sflag:$0x2] =	stream.indirect_vreg.gather [hbm4b:s2+s5], $0x80, v8, vm0, $0xb8;
	[tilespmem:$0x1C080] =	vst v63  }
0x5c: {  	s24 =	simm.s32 $0xE800  }
0x5d: {  	[tilespmem:s24], [sflag:$0x2] =	stream.indirect_vreg.gather [hbm4b:s8+s5], $0x80, v8, vm0, $0xb8;
	[tilespmem:$0x1C080] =	vst v63  }
0x5e: {  	s25 =	simm.s32 $0xF000  }
0x5f: {  	[tilespmem:s25], [sflag:$0x2] =	stream.indirect_vreg.gather [hbm4b:s9+s5], $0x80, v8, vm0, $0xb8;
	[tilespmem:$0x1C080] =	vst v63  }
0x60: {  	s26 =	simm.s32 $0xF800  }
0x61: {  	[tilespmem:s26], [sflag:$0x2] =	stream.indirect_vreg.gather [hbm4b:s10+s5], $0x80, v8, vm0, $0xb8;
	[tilespmem:$0x1C080] =	vst v63  }
0x62: {  	_ = 	snop  }
0x63: {  	[tilespmem:s28], [sflag:$0x2] =	stream.linear.gather [hbm4b:s7+s5], $0x8000, $0x38;
	[tilespmem:$0x1C080] =	vst v63  }
0x64: {  	s29 =	rddreg [dreg:$0x0];
	s13 =	simm.s32 $0x1C000  }
0x65: {  	[tilespmem:s13], [sflag:$0x4] =	stream.linear.gather [hbm4b:s29+s5], $0x80, $0x38;
	[tilespmem:$0x1C080] =	vst v63  }
0x66: {  	_ =	swait.ge [sflag:s30], $0x80  }
0x67: {  	[sflag:s30] =	ssyncset.done $0x0  }
0x68: {  	[sflag:s30] =	ssyncadd.s32 $0xFFFFFF80  }
0x69: {  	_ =	swait.ge [sflag:s31], $0x4000  }
0x6a: {  	[sflag:s31] =	ssyncset.done $0x0  }
0x6b: {  	[sflag:s31] =	ssyncadd.s32 $0xFFFFC000  }
0x6c: {  	_ =	swait.ge [sflag:s31], $0x4000  }
0x6d: {  	[sflag:s31] =	ssyncset.done $0x0  }
0x6e: {  	[sflag:s31] =	ssyncadd.s32 $0xFFFFC000  }
0x6f: {  	_ =	swait.ge [sflag:s31], $0x4000  }
0x70: {  	[sflag:s31] =	ssyncset.done $0x0  }
0x71: {  	[sflag:s31] =	ssyncadd.s32 $0xFFFFC000  }
0x72: {  	_ =	swait.ge [sflag:s31], $0x4000  }
0x73: {  	[sflag:s31] =	ssyncset.done $0x0  }
0x74: {  	[sflag:s31] =	ssyncadd.s32 $0xFFFFC000  }
.Ltmp2:
0x75: {  	_ =	swait.ge [sflag:s31], $0x8000;
	(pc) =	sbr.rel .LBB2_2-.Ltmp2, $4  }
0x76: {  	[sflag:s31] =	ssyncset.done $0x0  }
0x77: {  	[sflag:s31] =	ssyncadd.s32 $0xFFFF8000  }
0x78: {  	s15 =	simm.s32 $0x0;
	s16 =	simm.s32 $0x0;
	s17 =	simm.s32 $0x0;
	v9 =	vld [tilespmem:$0x1C000]  }
0x79: {  	s19 =	simm.s32 $0x0;
	s20 =	simm.s32 $0x0;
	s13 =	smov.u32 s18;
	v10 =	vld [tilespmem:$0x1C010]  }
.LBB2_20:
0x7a: {  	s16 =	ssub.s32 $0x0, s16  }
0x7b: {  	s16 =	sand.u32 $0x10, s16  }
0x7c: {  	p0 =	seq.s32 s16, $0x0  }
0x7d: {  	s16 =	simm.s32 @!p0 $0x1  }
0x7e: {  	_ =	swait.ge @!p0 [sflag:s16], $0x4000  }
0x7f: {  	[sflag:s16] =	ssyncset.done @!p0 $0x0  }
0x80: {  	[sflag:s16] =	ssyncadd.s32 @!p0 $0xFFFFC000  }
.LBB2_21:
0x81: {  	s19 =	sadd.s32 $0x1, s19  }
0x82: {  	p0 =	sne.s32 s19, $0x20  }
.Ltmp3:
0x83: {  	_ = 	snop;
	(pc) =	sbr.rel @!p0 .LBB2_22-.Ltmp3, $3  }
0x84: {  	_ =	sdelay $0x1  }
0x85: {  	s13 =	sadd.s32 $0x40000, s13  }
0x86: {  	s17 =	sadd.s32 $0x200000, s17;
	s20 =	smov.u32 s21;
	s16 =	smov.u32 s25  }
.LBB2_2:
0x87: {  	_ = 	snop  }
0x88: {  	s1 =	sadd.s32 $0xFFFFFFF0, s19  }
0x89: {  	s1 =	smin.u32 s19, s1  }
0x8a: {  	p0 =	slt.u32 s19, $0x10;
	v11 =	vmov s1  }
0x8b: {  	vm1 =	veq.s32 v11, v0;
	v12 =	vpsel p0, v9, v10  }
0x8c: {  	v11 =	vnsel vm1, $0x0, v12  }
0x8d: {  	(xrf0) =	vadd.scan.msk.s32 $0xffff, v11;
	_ =	sdelay $0x5  }
0x8e: {  	v11, _, _ =	vpop (xrf0)  }
0x8f: {  	(v2sf) =	vpush v11, $0xF;
	_ =	sdelay $0xe  }
0x90: {  	s22 =	spop (v2sf)  }
0x91: {  	s1 =	ssub.s32 s22, s6  }
0x92: {  	p0 =	sgt.s32 s1, $0x0  }
0x93: {  	p1 =	slt.s32 s1, $0x1;
	s1 =	simm.s32 @!p0 $0x0  }
0x94: {  	s25 =	smov.u32 s15;
	s15 =	smin.u32 s1, $0x40  }
0x95: {  	s1 =	sand.u32 $0xF, s15  }
0x96: {  	p6 =	sne.s32 s1, $0x0  }
0x97: {  	p0 =	por !p1, !p6  }
0x98: {  	s21 =	simm.s32 $0xFFFFFFFF;
	p0 =	por !p0, !p0  }
0x99: {  	s21 =	simm.s32 @!p0 $0x0  }
0x9a: {  	s23 =	sshll.u32 s21, $0x4  }
0x9b: {  	s21 =	sadd.s32 s15, s23  }
0x9c: {  	s24 =	sand.u32 $0xFFFFFFF0, s21  }
0x9d: {  	p0 =	sle.s32 s15, s24  }
0x9e: {  	v11 =	vlaneseq.u32 @!p0  }
0x9f: {  	s26 =	sadd.s32 @!p0 s6, s24;
	v12 =	vor.u32 @!p0 s24, v11;
	v13 =	vadd.s32 @!p0 $0x1, v11  }
0xa0: {  	vm1 =	vlt.s32 @!p0 v12, s15;
	v12 =	vadd.s32 @!p0 s26, v13  }
0xa1: {  	v12 =	vnsel @!p0 vm1, $0x0, v12  }
0xa2: {  	v13 =	vshll.u32 @!p0 v12, $0x3  }
0xa3: {  	v12 =	vand.u32 @!p0 $0x7, v12;
	v13 =	vand.u32 @!p0 $0xFFFFFFC0, v13  }
0xa4: {  	v14 =	vshrl.u32 @!p0 v11, $0x3;
	v12 =	vor.u32 @!p0 v12, v13;
	v13 =	vand.u32 @!p0 $0x7, v11  }
0xa5: {  	v14 =	vmul.u32 @!p0 $0x8, v14;
	v13 =	vperm.xlane @!p0 v12, v13  }
0xa6: {  	s29 =	sand.u32 $0xF, s25  }
0xa7: {  	p1 =	seq.s32 s29, $0x0;
	v13 =	vadd.s32 @!p0 v14, v13  }
0xa8: {  	s26 =	simm.s32 @!p1 $0x3  }
0xa9: {  	_ =	swait.ge @!p1 [sflag:s26], $0x4000  }
0xaa: {  	[sflag:s26] =	ssyncset.done @!p1 $0x0  }
0xab: {  	s29 =	simm.s32 @!p0 $0x18000;
	vm1 =	vmmov @!p0 $0xffff;
	[sflag:s26] =	ssyncadd.s32 @!p1 $0xFFFFC000;
	s26 =	simm.s32 @!p0 $0x0  }
0xac: {  	v11 =	vor.u32 @!p0 $0x8, v11;
	[tilespmem:s29], [sflag:$0x2] =	stream.indirect_vreg.gather @!p0 [hbm4b:s2+s26], $0x80, v13, vm1, $0xb8;
	[tilespmem:$0x1C080] =	vst v63  }
0xad: {  	v11 =	vperm.xlane @!p0 v12, v11;
	s29 =	simm.s32 @!p0 $0x18800  }
0xae: {  	[tilespmem:s29], [sflag:$0x2] =	stream.indirect_vreg.gather @!p0 [hbm4b:s8+s26], $0x80, v13, vm1, $0xb8;
	[tilespmem:$0x1C080] =	vst v63  }
0xaf: {  	v11 =	vadd.s32 @!p0 v14, v11;
	s29 =	simm.s32 @!p0 $0x19000  }
0xb0: {  	[tilespmem:s29], [sflag:$0x2] =	stream.indirect_vreg.gather @!p0 [hbm4b:s9+s26], $0x80, v13, vm1, $0xb8;
	[tilespmem:$0x1C080] =	vst v63  }
0xb1: {  	s29 =	simm.s32 @!p0 $0x19800  }
0xb2: {  	[tilespmem:s29], [sflag:$0x2] =	stream.indirect_vreg.gather @!p0 [hbm4b:s10+s26], $0x80, v13, vm1, $0xb8;
	[tilespmem:$0x1C080] =	vst v63  }
0xb3: {  	s29 =	simm.s32 @!p0 $0x1A000  }
0xb4: {  	[tilespmem:s29], [sflag:$0x2] =	stream.indirect_vreg.gather @!p0 [hbm4b:s2+s26], $0x80, v11, vm1, $0xb8;
	[tilespmem:$0x1C080] =	vst v63  }
0xb5: {  	s29 =	simm.s32 @!p0 $0x1A800  }
0xb6: {  	[tilespmem:s29], [sflag:$0x2] =	stream.indirect_vreg.gather @!p0 [hbm4b:s8+s26], $0x80, v11, vm1, $0xb8;
	[tilespmem:$0x1C080] =	vst v63  }
0xb7: {  	s29 =	simm.s32 @!p0 $0x1B000  }
0xb8: {  	[tilespmem:s29], [sflag:$0x2] =	stream.indirect_vreg.gather @!p0 [hbm4b:s9+s26], $0x80, v11, vm1, $0xb8;
	[tilespmem:$0x1C080] =	vst v63  }
0xb9: {  	s29 =	simm.s32 @!p0 $0x1B800  }
0xba: {  	[tilespmem:s29], [sflag:$0x2] =	stream.indirect_vreg.gather @!p0 [hbm4b:s10+s26], $0x80, v11, vm1, $0xb8;
	[tilespmem:$0x1C080] =	vst v63  }
0xbb: {  	s26 =	sshrl.u32 s21, $0x4  }
0xbc: {  	p1 =	sgt.s32 s26, $0x2  }
.Ltmp4:
0xbd: {  	_ = 	snop;
	(pc) =	sbr.rel @p1 .LBB2_8-.Ltmp4, $2  }
0xbe: {  	_ =	sdelay $0x2  }
0xbf: {  	s21 =	smov.u32 s16  }
0xc0: {  	p1 =	seq.s32 s26, $0x1  }
.Ltmp5:
0xc1: {  	_ = 	snop;
	(pc) =	sbr.rel @p1 .LBB2_11-.Ltmp5, $1  }
0xc2: {  	_ =	sdelay $0x3  }
0xc3: {  	p1 =	seq.s32 s26, $0x2  }
.Ltmp6:
0xc4: {  	_ = 	snop;
	(pc) =	sbr.rel @!p1 .LBB2_14-.Ltmp6, $1  }
0xc5: {  	_ =	sdelay $0x3  }
0xc6: {  	p1 =	seq.s32 s24, $0x40  }
.Ltmp7:
0xc7: {  	_ = 	snop;
	(pc) =	sbr.rel @p1 .LBB2_10-.Ltmp7, $4  }
0xc8: {  	_ = 	snop  }
0xc9: {  	[hbm4b:s13+s5] =	stream.linear.scatter [tilespmem:s5], [sflag:$0x1], $0x8000, $0x38;
	[tilespmem:$0x1C080] =	vst v63  }
0xca: {  	s16 =	sshll.u32 s19, $0x12  }
0xcb: {  	s16 =	sadd.s32 s16, s11  }
0xcc: {  	p1 =	sne.s32 s24, $0x30  }
.Ltmp8:
0xcd: {  	_ = 	snop;
	(pc) =	sbr.rel @!p1 .LBB2_7-.Ltmp8, $4  }
.Ltmp9:
0xce: {  	_ = 	snop;
	(pc) =	sbr.rel @p1 .LBB2_14-.Ltmp9, $4  }
0xcf: {  	_ = 	snop  }
0xd0: {  	_ = 	snop  }
0xd1: {  	_ = 	snop  }
0xd2: {  	_ = 	snop  }
.LBB2_8:
0xd3: {  	p1 =	seq.s32 s26, $0x3  }
.Ltmp10:
0xd4: {  	_ = 	snop;
	(pc) =	sbr.rel @p1 .LBB2_7-.Ltmp10, $2  }
0xd5: {  	_ =	sdelay $0x2  }
0xd6: {  	s16 =	smov.u32 s13  }
0xd7: {  	p1 =	seq.s32 s26, $0x4  }
.Ltmp11:
0xd8: {  	_ = 	snop;
	(pc) =	sbr.rel @p1 .LBB2_10-.Ltmp11, $4  }
.Ltmp12:
0xd9: {  	_ = 	snop;
	(pc) =	sbr.rel @!p1 .LBB2_14-.Ltmp12, $4  }
0xda: {  	_ = 	snop  }
0xdb: {  	_ = 	snop  }
0xdc: {  	s16 =	smov.u32 s13  }
0xdd: {  	_ = 	snop  }
.LBB2_11:
0xde: {  	p1 =	seq.s32 s24, $0x40  }
.Ltmp13:
0xdf: {  	_ = 	snop;
	(pc) =	sbr.rel @p1 .LBB2_10-.Ltmp13, $4  }
0xe0: {  	_ = 	snop  }
0xe1: {  	[hbm4b:s13+s5] =	stream.linear.scatter [tilespmem:s5], [sflag:$0x1], $0x4000, $0x38;
	[tilespmem:$0x1C080] =	vst v63  }
0xe2: {  	s16 =	sshll.u32 s19, $0x12  }
0xe3: {  	s16 =	sadd.s32 s16, s11  }
0xe4: {  	p1 =	seq.s32 s24, $0x30  }
.Ltmp14:
0xe5: {  	_ = 	snop;
	(pc) =	sbr.rel @p1 .LBB2_7-.Ltmp14, $1  }
0xe6: {  	_ =	sdelay $0x3  }
.Ltmp15:
0xe7: {  	(pc) =	sbr.rel .LBB2_14-.Ltmp15, $4  }
0xe8: {  	_ = 	snop  }
0xe9: {  	p1 =	sne.s32 s24, $0x20  }
0xea: {  	s16 =	simm.s32 @!p1 $0x0  }
0xeb: {  	[hbm4b:s13+s16] =	stream.linear.scatter @!p1 [tilespmem:s16], [sflag:$0x1], $0x8000, $0x38;
	[tilespmem:$0x1C080] =	vst v63  }
.LBB2_7:
0xec: {  	p1 =	sne.s32 s24, $0x40  }
.Ltmp16:
0xed: {  	_ = 	snop;
	(pc) =	sbr.rel @p1 .LBB2_14-.Ltmp16, $2  }
0xee: {  	_ =	sdelay $0x2  }
0xef: {  	[hbm4b:s16+s5] =	stream.linear.scatter [tilespmem:s5], [sflag:$0x1], $0xC000, $0x38;
	[tilespmem:$0x1C080] =	vst v63  }
.LBB2_10:
0xf0: {  	[hbm4b:s16+s5] =	stream.linear.scatter [tilespmem:s5], [sflag:$0x1], $0x10000, $0x38;
	[tilespmem:$0x1C080] =	vst v63  }
.LBB2_14:
0xf1: {  	p1 =	sgt.s32 s15, s24;
	s26 =	simm.s32 $0x10  }
0xf2: {  	s26 =	simm.s32 @!p1 $0x0  }
0xf3: {  	s16 =	sadd.s32 s24, s26  }
0xf4: {  	p1 =	sgt.s32 s16, $0x20  }
0xf5: {  	s24 =	sadd.s32 @!p1 s22, s14  }
0xf6: {  	p2 =	sgt.s32 @!p1 s24, $0x0  }
0xf7: {  	p2 =	por !p2, p1  }
0xf8: {  	s24 =	simm.s32 @p2 $0x0  }
0xf9: {  	s24 =	smin.u32 @!p1 s24, $0x40  }
0xfa: {  	s24 =	sadd.s32 @!p1 s23, s24  }
0xfb: {  	s26 =	sadd.s32 @!p1 s26, s6;
	s24 =	sand.u32 @!p1 $0x3FFFF0, s24  }
0xfc: {  	s24 =	sadd.s32 @!p1 s24, s26  }
0xfd: {  	s24 =	sshll.u32 @!p1 s24, $0xA  }
0xfe: {  	s24 =	sadd.s32 @!p1 s24, s17  }
0xff: {  	s29 =	simm.s32 @!p1 $0x10000;
	s24 =	sshrl.u32 @!p1 s24, $0x3  }
0x100: {  	p2 =	sne.s32 @!p1 s16, $0x0;
	s26 =	simm.s32 @!p1 $0x0;
	s24 =	sadd.s32 @!p1 s3, s24  }
0x101: {  	[hbm4b:s24+s26] =	stream.linear.scatter @!p1 [tilespmem:s29], [sflag:$0x1], $0x8000, $0x38;
	[tilespmem:$0x1C080] =	vst v63  }
0x102: {  	p1 =	por p1, p2  }
.Ltmp17:
0x103: {  	_ = 	snop;
	(pc) =	sbr.rel @!p1 .LBB2_15-.Ltmp17, $1  }
0x104: {  	_ =	sdelay $0x3  }
.Ltmp18:
0x105: {  	s16 =	ssub.s32 $0x0, s16;
	(pc) =	sbr.rel .LBB2_17-.Ltmp18, $4  }
0x106: {  	s16 =	sand.u32 $0x10, s16  }
0x107: {  	p1 =	seq.s32 s16, $0x0  }
0x108: {  	s16 =	sadd.s32 @!p1 $0x1800, s13;
	s24 =	simm.s32 @!p1 $0x0;
	s26 =	simm.s32 @!p1 $0x10000  }
0x109: {  	[hbm4b:s16+s24] =	stream.linear.scatter @!p1 [tilespmem:s26], [sflag:$0x1], $0x4000, $0x38;
	[tilespmem:$0x1C080] =	vst v63  }
.LBB2_15:
0x10a: {  	s16 =	sadd.s32 $0x1000, s13  }
0x10b: {  	[hbm4b:s16+s5] =	stream.linear.scatter [tilespmem:s28], [sflag:$0x1], $0x8000, $0x38;
	[tilespmem:$0x1C080] =	vst v63  }
.LBB2_17:
0x10c: {  	s16 =	sadd.s32 @!p0 s22, s14  }
0x10d: {  	p1 =	sgt.s32 @!p0 s16, $0x0  }
0x10e: {  	p1 =	por !p1, p0  }
0x10f: {  	s16 =	simm.s32 @p1 $0x0  }
0x110: {  	s16 =	smin.u32 @!p0 s16, $0x40  }
0x111: {  	s16 =	sadd.s32 @!p0 s23, s16  }
0x112: {  	s16 =	sand.u32 @!p0 $0x3FFFF0, s16  }
0x113: {  	s22 =	simm.s32 @!p0 $0x2;
	s16 =	sadd.s32 @!p0 s16, s6  }
0x114: {  	_ =	swait.ge @!p0 [sflag:s22], $0x4000;
	s16 =	sshll.u32 @!p0 s16, $0xA  }
0x115: {  	[sflag:s22] =	ssyncset.done @!p0 $0x0;
	s16 =	sadd.s32 @!p0 s16, s17  }
0x116: {  	[sflag:s22] =	ssyncadd.s32 @!p0 $0xFFFFC000;
	s16 =	sshrl.u32 @!p0 s16, $0x3  }
0x117: {  	s22 =	simm.s32 @!p0 $0x0;
	s23 =	simm.s32 @!p0 $0x18000;
	s16 =	sadd.s32 @!p0 s3, s16  }
0x118: {  	[hbm4b:s16+s22] =	stream.linear.scatter @!p0 [tilespmem:s23], [sflag:$0x3], $0x4000, $0x38;
	[tilespmem:$0x1C080] =	vst v63  }
0x119: {  	p0 =	slt.u32 s19, $0x3  }
.Ltmp19:
0x11a: {  	_ = 	snop;
	(pc) =	sbr.rel @p0 .LBB2_21-.Ltmp19, $1  }
0x11b: {  	_ =	sdelay $0x3  }
0x11c: {  	s16 =	sshrl.u32 s20, $0x4  }
0x11d: {  	p0 =	sgt.s32 s16, $0x2  }
0x11e: {  	p1 =	seq.s32 @p0 s16, $0x3  }
0x11f: {  	p2 =	por !p1, !p0;
	p3 =	por p1, !p0  }
0x120: {  	s22 =	simm.s32 @!p2 $0x1;
	p3 =	seq.s32 @!p3 s16, $0x4  }
0x121: {  	_ =	swait.ge @!p2 [sflag:s22], $0xC000;
	p1 =	por @p0 !p3, p1  }
0x122: {  	[sflag:s22] =	ssyncset.done @!p2 $0x0;
	p1 =	por p1, !p0  }
0x123: {  	[sflag:s22] =	ssyncadd.s32 @!p2 $0xFFFF4000;
	s22 =	simm.s32 @!p1 $0x1  }
0x124: {  	p2 =	seq.s32 @!p0 s16, $0x1;
	_ =	swait.ge @!p1 [sflag:s22], $0x10000  }
0x125: {  	p3 =	por !p2, p0;
	[sflag:s22] =	ssyncset.done @!p1 $0x0  }
0x126: {  	[sflag:s22] =	ssyncadd.s32 @!p1 $0xFFFF0000;
	s22 =	simm.s32 @!p3 $0x1;
	p1 =	por p2, p0  }
0x127: {  	_ =	swait.ge @!p3 [sflag:s22], $0x4000;
	p1 =	seq.s32 @!p1 s16, $0x2  }
0x128: {  	s29 =	sand.u32 $0xFFFFFFF0, s20;
	p1 =	por @!p0 !p1, p2;
	[sflag:s22] =	ssyncset.done @!p3 $0x0  }
0x129: {  	p0 =	por p1, p0;
	p1 =	seq.s32 s29, s20;
	s20 =	simm.s32 $0x0  }
0x12a: {  	[sflag:s22] =	ssyncadd.s32 @!p3 $0xFFFFC000;
	s22 =	simm.s32 @!p0 $0x1;
	s20 =	simm.s32 @!p1 $0x10  }
0x12b: {  	_ =	swait.ge @!p0 [sflag:s22], $0x8000;
	s16 =	sadd.s32 s29, s20  }
0x12c: {  	[sflag:s22] =	ssyncset.done @!p0 $0x0;
	p1 =	sgt.u32 s16, $0x20  }
0x12d: {  	[sflag:s22] =	ssyncadd.s32 @!p0 $0xFFFF8000;
	p0 =	sne.s32 @!p1 s16, $0x0  }
0x12e: {  	p0 =	por p1, p0  }
.Ltmp20:
0x12f: {  	_ = 	snop;
	(pc) =	sbr.rel @p0 .LBB2_20-.Ltmp20, $4  }
0x130: {  	s20 =	simm.s32 @!p1 $0x1  }
0x131: {  	_ =	swait.ge @!p1 [sflag:s20], $0x8000  }
0x132: {  	[sflag:s20] =	ssyncset.done @!p1 $0x0  }
0x133: {  	[sflag:s20] =	ssyncadd.s32 @!p1 $0xFFFF8000  }
.Ltmp21:
0x134: {  	(pc) =	sbr.rel .LBB2_21-.Ltmp21, $4  }
0x135: {  	_ = 	snop  }
0x136: {  	_ =	swait.ge [sflag:s0], $0x8000  }
0x137: {  	[sflag:s0] =	ssyncset.done $0x0  }
0x138: {  	[sflag:s0] =	ssyncadd.s32 $0xFFFF8000  }
.LBB2_22:
0x139: {  	s13 =	sshrl.u32 s21, $0x4  }
0x13a: {  	p0 =	sgt.s32 s13, $0x2  }
0x13b: {  	p1 =	seq.s32 @p0 s13, $0x3  }
0x13c: {  	p2 =	por !p1, !p0;
	p3 =	por p1, !p0  }
0x13d: {  	s16 =	simm.s32 @!p2 $0x1;
	p3 =	seq.s32 @!p3 s13, $0x4  }
0x13e: {  	_ =	swait.ge @!p2 [sflag:s16], $0xC000;
	p1 =	por @p0 !p3, p1  }
0x13f: {  	[sflag:s16] =	ssyncset.done @!p2 $0x0;
	p1 =	por p1, !p0  }
0x140: {  	[sflag:s16] =	ssyncadd.s32 @!p2 $0xFFFF4000;
	s16 =	simm.s32 @!p1 $0x1  }
0x141: {  	_ =	swait.ge @!p1 [sflag:s16], $0x10000  }
0x142: {  	p2 =	seq.s32 @!p0 s13, $0x1;
	[sflag:s16] =	ssyncset.done @!p1 $0x0  }
0x143: {  	p3 =	por !p2, p0;
	[sflag:s16] =	ssyncadd.s32 @!p1 $0xFFFF0000;
	p1 =	por p2, p0  }
0x144: {  	s29 =	sand.u32 $0xFFFFFFF0, s21;
	s16 =	simm.s32 @!p3 $0x1;
	p1 =	seq.s32 @!p1 s13, $0x2  }
0x145: {  	s17 =	simm.s32 $0x0;
	_ =	swait.ge @!p3 [sflag:s16], $0x4000;
	p1 =	por @!p0 !p1, p2  }
0x146: {  	[sflag:s16] =	ssyncset.done @!p3 $0x0;
	p0 =	por p1, p0;
	p1 =	seq.s32 s29, s21  }
0x147: {  	[sflag:s16] =	ssyncadd.s32 @!p3 $0xFFFFC000;
	s16 =	simm.s32 @!p0 $0x1;
	s17 =	simm.s32 @!p1 $0x10  }
0x148: {  	_ =	swait.ge @!p0 [sflag:s16], $0x8000;
	s13 =	sadd.s32 s29, s17  }
0x149: {  	[sflag:s16] =	ssyncset.done @!p0 $0x0;
	p1 =	sgt.u32 s13, $0x20  }
0x14a: {  	[sflag:s16] =	ssyncadd.s32 @!p0 $0xFFFF8000;
	p0 =	sne.s32 @!p1 s13, $0x0  }
0x14b: {  	p0 =	por p1, p0  }
.Ltmp22:
0x14c: {  	_ = 	snop;
	(pc) =	sbr.rel @!p0 .LBB2_23-.Ltmp22, $4  }
0x14d: {  	s16 =	simm.s32 @!p1 $0x1  }
0x14e: {  	_ =	swait.ge @!p1 [sflag:s16], $0x8000  }
0x14f: {  	[sflag:s16] =	ssyncset.done @!p1 $0x0  }
0x150: {  	[sflag:s16] =	ssyncadd.s32 @!p1 $0xFFFF8000  }
0x151: {  	s13 =	ssub.s32 $0x0, s13  }
0x152: {  	s13 =	sand.u32 $0x10, s13  }
.Ltmp23:
0x153: {  	p0 =	seq.s32 s13, $0x0;
	(pc) =	sbr.rel .LBB2_25-.Ltmp23, $4  }
0x154: {  	s13 =	simm.s32 @!p0 $0x1  }
0x155: {  	_ =	swait.ge @!p0 [sflag:s13], $0x4000  }
0x156: {  	[sflag:s13] =	ssyncset.done @!p0 $0x0  }
0x157: {  	[sflag:s13] =	ssyncadd.s32 @!p0 $0xFFFFC000  }
.LBB2_23:
0x158: {  	_ =	swait.ge [sflag:s0], $0x8000  }
0x159: {  	[sflag:s0] =	ssyncset.done $0x0  }
0x15a: {  	[sflag:s0] =	ssyncadd.s32 $0xFFFF8000  }
.LBB2_25:
0x15b: {  	s13 =	sshrl.u32 s25, $0x4  }
0x15c: {  	p0 =	sgt.s32 s13, $0x2  }
0x15d: {  	p1 =	seq.s32 @p0 s13, $0x3  }
0x15e: {  	p2 =	por !p1, !p0;
	p3 =	por p1, !p0  }
0x15f: {  	s16 =	simm.s32 @!p2 $0x1;
	p3 =	seq.s32 @!p3 s13, $0x4  }
0x160: {  	_ =	swait.ge @!p2 [sflag:s16], $0xC000;
	p1 =	por @p0 !p3, p1  }
0x161: {  	[sflag:s16] =	ssyncset.done @!p2 $0x0;
	p1 =	por p1, !p0  }
0x162: {  	[sflag:s16] =	ssyncadd.s32 @!p2 $0xFFFF4000;
	s16 =	simm.s32 @!p1 $0x1  }
0x163: {  	_ =	swait.ge @!p1 [sflag:s16], $0x10000  }
0x164: {  	p2 =	seq.s32 @!p0 s13, $0x1;
	[sflag:s16] =	ssyncset.done @!p1 $0x0  }
0x165: {  	p3 =	por !p2, p0;
	[sflag:s16] =	ssyncadd.s32 @!p1 $0xFFFF0000;
	p1 =	por p2, p0  }
0x166: {  	s29 =	sand.u32 $0x70, s25;
	s16 =	simm.s32 @!p3 $0x1;
	p1 =	seq.s32 @!p1 s13, $0x2  }
0x167: {  	s17 =	simm.s32 $0x0;
	_ =	swait.ge @!p3 [sflag:s16], $0x4000;
	p1 =	por @!p0 !p1, p2  }
0x168: {  	[sflag:s16] =	ssyncset.done @!p3 $0x0;
	p0 =	por p1, p0;
	p1 =	seq.s32 s29, s25  }
0x169: {  	[sflag:s16] =	ssyncadd.s32 @!p3 $0xFFFFC000;
	s16 =	simm.s32 @!p0 $0x1;
	s17 =	simm.s32 @!p1 $0x10  }
0x16a: {  	_ =	swait.ge @!p0 [sflag:s16], $0x8000;
	s13 =	sadd.s32 s29, s17  }
0x16b: {  	[sflag:s16] =	ssyncset.done @!p0 $0x0;
	p1 =	sgt.u32 s13, $0x20  }
0x16c: {  	[sflag:s16] =	ssyncadd.s32 @!p0 $0xFFFF8000;
	p0 =	sne.s32 @!p1 s13, $0x0  }
0x16d: {  	p0 =	por p1, p0  }
.Ltmp24:
0x16e: {  	_ = 	snop;
	(pc) =	sbr.rel @!p0 .LBB2_26-.Ltmp24, $4  }
0x16f: {  	s16 =	simm.s32 @!p1 $0x1  }
0x170: {  	_ =	swait.ge @!p1 [sflag:s16], $0x8000  }
0x171: {  	[sflag:s16] =	ssyncset.done @!p1 $0x0  }
0x172: {  	[sflag:s16] =	ssyncadd.s32 @!p1 $0xFFFF8000  }
0x173: {  	s13 =	ssub.s32 $0x0, s13  }
0x174: {  	s13 =	sand.u32 $0x10, s13  }
.Ltmp25:
0x175: {  	p0 =	seq.s32 s13, $0x0;
	(pc) =	sbr.rel .LBB2_28-.Ltmp25, $4  }
0x176: {  	s13 =	simm.s32 @!p0 $0x1  }
0x177: {  	_ =	swait.ge @!p0 [sflag:s13], $0x4000  }
0x178: {  	[sflag:s13] =	ssyncset.done @!p0 $0x0  }
0x179: {  	[sflag:s13] =	ssyncadd.s32 @!p0 $0xFFFFC000  }
.LBB2_26:
0x17a: {  	_ =	swait.ge [sflag:s0], $0x8000  }
0x17b: {  	[sflag:s0] =	ssyncset.done $0x0  }
0x17c: {  	[sflag:s0] =	ssyncadd.s32 $0xFFFF8000  }
.LBB2_28:
0x17d: {  	s16 =	sshrl.u32 s15, $0x4  }
0x17e: {  	p0 =	sgt.s32 s16, $0x2  }
.Ltmp26:
0x17f: {  	_ = 	snop;
	(pc) =	sbr.rel @p0 .LBB2_34-.Ltmp26, $2  }
0x180: {  	_ =	sdelay $0x2  }
0x181: {  	s13 =	sand.u32 $0x70, s15  }
0x182: {  	p0 =	seq.s32 s16, $0x1  }
.Ltmp27:
0x183: {  	_ = 	snop;
	(pc) =	sbr.rel @p0 .LBB2_37-.Ltmp27, $1  }
0x184: {  	_ =	sdelay $0x3  }
0x185: {  	p0 =	seq.s32 s16, $0x2  }
.Ltmp28:
0x186: {  	_ = 	snop;
	(pc) =	sbr.rel @!p0 .LBB2_40-.Ltmp28, $1  }
0x187: {  	_ =	sdelay $0x3  }
0x188: {  	p0 =	seq.s32 s13, $0x40  }
.Ltmp29:
0x189: {  	_ = 	snop;
	(pc) =	sbr.rel @p0 .LBB2_36-.Ltmp29, $4  }
0x18a: {  	_ = 	snop  }
0x18b: {  	_ =	swait.ge [sflag:s0], $0x8000  }
0x18c: {  	[sflag:s0] =	ssyncset.done $0x0  }
0x18d: {  	[sflag:s0] =	ssyncadd.s32 $0xFFFF8000  }
0x18e: {  	p0 =	sne.s32 s13, $0x30  }
.Ltmp30:
0x18f: {  	_ = 	snop;
	(pc) =	sbr.rel @!p0 .LBB2_33-.Ltmp30, $4  }
.Ltmp31:
0x190: {  	_ = 	snop;
	(pc) =	sbr.rel @p0 .LBB2_40-.Ltmp31, $4  }
0x191: {  	_ = 	snop  }
0x192: {  	_ = 	snop  }
0x193: {  	_ = 	snop  }
0x194: {  	_ = 	snop  }
.LBB2_34:
0x195: {  	p0 =	seq.s32 s16, $0x3  }
.Ltmp32:
0x196: {  	_ = 	snop;
	(pc) =	sbr.rel @p0 .LBB2_33-.Ltmp32, $1  }
0x197: {  	_ =	sdelay $0x3  }
0x198: {  	p0 =	seq.s32 s16, $0x4  }
.Ltmp33:
0x199: {  	_ = 	snop;
	(pc) =	sbr.rel @p0 .LBB2_36-.Ltmp33, $4  }
.Ltmp34:
0x19a: {  	_ = 	snop;
	(pc) =	sbr.rel @!p0 .LBB2_40-.Ltmp34, $4  }
0x19b: {  	_ = 	snop  }
0x19c: {  	_ = 	snop  }
0x19d: {  	_ = 	snop  }
0x19e: {  	_ = 	snop  }
.LBB2_37:
0x19f: {  	p0 =	seq.s32 s13, $0x40  }
.Ltmp35:
0x1a0: {  	_ = 	snop;
	(pc) =	sbr.rel @p0 .LBB2_36-.Ltmp35, $4  }
0x1a1: {  	_ = 	snop  }
0x1a2: {  	_ =	swait.ge [sflag:s0], $0x4000  }
0x1a3: {  	[sflag:s0] =	ssyncset.done $0x0  }
0x1a4: {  	[sflag:s0] =	ssyncadd.s32 $0xFFFFC000  }
0x1a5: {  	p0 =	seq.s32 s13, $0x30  }
.Ltmp36:
0x1a6: {  	_ = 	snop;
	(pc) =	sbr.rel @p0 .LBB2_33-.Ltmp36, $1  }
0x1a7: {  	_ =	sdelay $0x3  }
.Ltmp37:
0x1a8: {  	p0 =	sne.s32 s13, $0x20;
	(pc) =	sbr.rel .LBB2_40-.Ltmp37, $4  }
0x1a9: {  	s15 =	simm.s32 @!p0 $0x1  }
0x1aa: {  	_ =	swait.ge @!p0 [sflag:s15], $0x8000  }
0x1ab: {  	[sflag:s15] =	ssyncset.done @!p0 $0x0  }
0x1ac: {  	[sflag:s15] =	ssyncadd.s32 @!p0 $0xFFFF8000  }
.LBB2_33:
0x1ad: {  	p0 =	sne.s32 s13, $0x40  }
.Ltmp38:
0x1ae: {  	_ = 	snop;
	(pc) =	sbr.rel @p0 .LBB2_40-.Ltmp38, $4  }
0x1af: {  	_ = 	snop  }
0x1b0: {  	_ =	swait.ge [sflag:s0], $0xC000  }
0x1b1: {  	[sflag:s0] =	ssyncset.done $0x0  }
0x1b2: {  	[sflag:s0] =	ssyncadd.s32 $0xFFFF4000  }
.LBB2_36:
0x1b3: {  	_ =	swait.ge [sflag:s0], $0x10000  }
0x1b4: {  	[sflag:s0] =	ssyncset.done $0x0  }
0x1b5: {  	[sflag:s0] =	ssyncadd.s32 $0xFFFF0000  }
.LBB2_40:
0x1b6: {  	p0 =	seq.s32 s1, $0x0;
	s1 =	simm.s32 $0x0  }
0x1b7: {  	s1 =	simm.s32 @!p0 $0x10  }
0x1b8: {  	s1 =	sadd.s32 s13, s1  }
0x1b9: {  	p1 =	sgt.u32 s1, $0x20  }
0x1ba: {  	p2 =	sne.s32 @!p1 s1, $0x0  }
0x1bb: {  	p2 =	por p1, p2  }
.Ltmp39:
0x1bc: {  	_ = 	snop;
	(pc) =	sbr.rel @p2 .LBB2_42-.Ltmp39, $4  }
0x1bd: {  	s13 =	simm.s32 @!p1 $0x1  }
0x1be: {  	_ =	swait.ge @!p1 [sflag:s13], $0x8000  }
0x1bf: {  	[sflag:s13] =	ssyncset.done @!p1 $0x0  }
0x1c0: {  	[sflag:s13] =	ssyncadd.s32 @!p1 $0xFFFF8000  }
.Ltmp40:
0x1c1: {  	(pc) =	sbr.rel .LBB2_43-.Ltmp40, $4  }
0x1c2: {  	_ = 	snop  }
0x1c3: {  	_ =	swait.ge [sflag:s0], $0x8000  }
0x1c4: {  	[sflag:s0] =	ssyncset.done $0x0  }
0x1c5: {  	[sflag:s0] =	ssyncadd.s32 $0xFFFF8000  }
.LBB2_44:
0x1c6: {  	_ =	sfence.sel $0x180000  }
0x1c7: {  	[bflag:$0x0] =	sbarrier.arrive $0xFFFF  }
0x1c8: {  	_ =	strace $0x90000047  }
0x1c9: {  	s0 =	stileid.u32;
	[bflag:$0x2] =	sbarrier.arrive $0xFFFF  }
0x1ca: {  	p0 =	sne.s32 s0, $0x0;
	s0 =	rddreg [dreg:$0x4]  }
0x1cb: {  	s0 =	sadd.s32 @!p0 $0x100000, s0  }
0x1cc: {  	[sflag:s0] =	ssyncadd.tile.s32 @!p0 $0x1;
	_ =	shalt  }
.Lfunc_end2:
_tile_overlayer_lowered:
.L_overlay_start_2:
0x1cd: {  	(tag) =	ssettag $0x2  }
0x1ce: {  	s0 =	rddreg [dreg:$0x0];
	s2 =	stileid.u32  }
0x1cf: {  	s1 =	rddreg [dreg:$0x1];
	p0 =	sne.s32 s2, $0x0  }
0x1d0: {  	s3 =	rddreg [dreg:$0x2];
	[bflag:$0x3] =	sbarrier.arrive $0xFFFF;
	s2 =	simm.s32 @!p0 $0x1C04  }
0x1d1: {  	[timem:s3], [sflag:s2] =	dma.local @!p0 [hbm:s0], s1  }
0x1d2: {  	s0 =	simm.s32 @!p0 $0x4  }
0x1d3: {  	_ =	swait.ge @!p0 [sflag:s0], s1  }
0x1d4: {  	s1 =	ssub.s32 @!p0 $0x0, s1;
	[sflag:s0] =	ssyncset.done @!p0 $0x0  }
0x1d5: {  	[sflag:s0] =	ssyncadd.s32 @!p0 s1  }
0x1d6: {  	[bflag:$0x3] =	sbarrier.arrive $0xFFFF  }
0x1d7: {  	_ =	shalt  }

</sc_bundles>
